<compile_context>
chip_gen: v7x
topology: tpu7x:2x2x1
jax: 0.10.2.dev20260603
libtpu: 0.0.44.dev20260713+nightly
codegen_flags: <defaults>
</compile_context>

<pallas_src>
import functools

import jax
import jax.numpy as jnp
from jax import lax
from jax.experimental import pallas as pl
from jax.experimental.pallas import tpu as pltpu
from jax.experimental.pallas import tpu_sc as plsc

N = 1576
D = 384
DFF = 1536
E = 6
TEMP = 0.07
EPS = 1e-6

NPAD = 2048
EPADG = 8
BN = 128
G = 30
M = 4096
DUMP = M - 1
NC = 2
NS = 16
NW = NC * NS
CH_G = M // NW
CH_T = NPAD // NW

def _mesh():
    return plsc.VectorSubcoreMesh(core_axis_name="c", subcore_axis_name="s",
                                  num_cores=NC, num_subcores=NS)


def _shift_down(a, s):
    return jnp.pad(a[:-s], ((s, 0), (0, 0)))


def _plan_body(x_ref, gw_ref, dest2_ref, gv2_ref, da_ref, db_ref, bex_ref):
    xb = x_ref[...]
    nrm = jnp.sqrt(jnp.sum(xb * xb, axis=1, keepdims=True))
    xn = xb / (nrm + EPS)
    gw = gw_ref[...]
    gn = gw / (jnp.sqrt(jnp.sum(gw * gw, axis=1, keepdims=True)) + EPS)
    logits = jnp.dot(xn, gn.T, preferred_element_type=jnp.float32) / TEMP
    cols = lax.broadcasted_iota(jnp.int32, (NPAD, EPADG), 1)
    logits = jnp.where(cols < E, logits, -1e30)
    m1 = jnp.max(logits, axis=1, keepdims=True)
    i1 = jnp.min(jnp.where(logits == m1, cols, EPADG), axis=1, keepdims=True)
    masked = jnp.where(cols == i1, -1e30, logits)
    m2 = jnp.max(masked, axis=1, keepdims=True)
    i2 = jnp.min(jnp.where(masked == m2, cols, EPADG), axis=1, keepdims=True)
    g1 = 1.0 / (1.0 + jnp.exp(m2 - m1))
    g2 = 1.0 - g1

    rows = lax.broadcasted_iota(jnp.int32, (NPAD, 1), 0)
    valid = rows < N
    oh0 = ((cols == i1) & valid).astype(jnp.int32)
    oh1 = ((cols == i2) & valid).astype(jnp.int32)
    ohs = oh0 + oh1
    s = ohs
    sh = 1
    while sh < NPAD:
        s = s + _shift_down(s, sh)
        sh *= 2
    sx = s - ohs
    cnt = jnp.sum(ohs, axis=0, keepdims=True)
    nb = (cnt + (BN - 1)) // BN
    cn = nb
    for lsh in (1, 2, 4):
        cn = cn + jnp.pad(cn[:, :-lsh], ((0, 0), (lsh, 0)))
    slotbase = (cn - nb) * BN
    rank0 = jnp.sum(oh0 * sx, axis=1, keepdims=True)
    base0 = jnp.sum(oh0.astype(jnp.float32) * slotbase.astype(jnp.float32),
                    axis=1, keepdims=True).astype(jnp.int32)
    d0 = jnp.where(valid, base0 + rank0, DUMP)
    rank1 = jnp.sum(oh1 * sx, axis=1, keepdims=True)
    base1 = jnp.sum(oh1.astype(jnp.float32) * slotbase.astype(jnp.float32),
                    axis=1, keepdims=True).astype(jnp.int32)
    d1 = jnp.where(valid, base1 + rank1, DUMP)

    dest2_ref[...] = jnp.concatenate([d0, d1], axis=1)
    validf = valid.astype(jnp.float32)
    gv2_ref[...] = jnp.concatenate([g1 * validf, g2 * validf], axis=1)
    da_ref[...] = jnp.where(valid, d0, 0)
    db_ref[...] = jnp.where(valid, d1, 0)

    grow = lax.broadcasted_iota(jnp.int32, (32, EPADG), 0)
    cmp = (jnp.broadcast_to(cn, (32, EPADG)) <= grow).astype(jnp.int32)
    bexv = jnp.clip(jnp.sum(cmp, axis=1, keepdims=True), 0, E - 1)
    bex_ref[...] = bexv


def _plan(xp, gwp):
    return pl.pallas_call(
        _plan_body,
        out_shape=[
            jax.ShapeDtypeStruct((NPAD, 2), jnp.int32),
            jax.ShapeDtypeStruct((NPAD, 2), jnp.float32),
            jax.ShapeDtypeStruct((NPAD, 1), jnp.int32),
            jax.ShapeDtypeStruct((NPAD, 1), jnp.int32),
            jax.ShapeDtypeStruct((32, 1), jnp.int32),
        ],
    )(xp, gwp)


BM = 256


def _invert_body(dest_ref, gv_ref, src_ref, gm_ref):
    g = pl.program_id(0)
    mrow = g * BM + lax.broadcasted_iota(jnp.int32, (BM, 1), 0)
    z = (dest_ref[...] == mrow).astype(jnp.float32)
    acol = lax.broadcasted_iota(jnp.int32, (M, 1), 0)
    tokcol = (acol >> 1).astype(jnp.float32)
    v = jnp.concatenate([tokcol, gv_ref[...]], axis=1)
    r = jnp.dot(z, v, preferred_element_type=jnp.float32,
                precision=jax.lax.Precision.HIGHEST)
    src_ref[...] = jnp.clip(r[:, :1], 0, NPAD - 1).astype(jnp.int32)
    gm_ref[...] = r[:, 1:2]


def _invert(dest_row, gv_col):
    return pl.pallas_call(
        _invert_body,
        grid=(M // BM,),
        in_specs=[
            pl.BlockSpec((1, M), lambda g: (0, 0)),
            pl.BlockSpec((M, 1), lambda g: (0, 0)),
        ],
        out_specs=[
            pl.BlockSpec((BM, 1), lambda g: (g, 0)),
            pl.BlockSpec((BM, 1), lambda g: (g, 0)),
        ],
        out_shape=[
            jax.ShapeDtypeStruct((M, 1), jnp.int32),
            jax.ShapeDtypeStruct((M, 1), jnp.float32),
        ],
        compiler_params=pltpu.CompilerParams(
            dimension_semantics=("arbitrary",),
        ),
    )(dest_row, gv_col)


def _dispatch_body(src_hbm, x_hbm, xg_hbm, idxv, rowsv, sem):
    wid = lax.axis_index("s") * NC + lax.axis_index("c")
    base = pl.multiple_of(wid * CH_G, CH_G)
    pltpu.sync_copy(src_hbm.at[pl.ds(base, CH_G)], idxv)
    pltpu.async_copy(x_hbm.at[pl.ds(0, CH_G)], rowsv, sem).wait()
    pltpu.sync_copy(rowsv, xg_hbm.at[pl.ds(base, CH_G)])


def _ffn_body(bex_ref, xg_ref, w1_ref, b1_ref, w2_ref, b2_ref, gm_ref,
              yg_ref):
    xb16 = xg_ref[...].astype(jnp.bfloat16)
    h = jnp.dot(xb16, w1_ref[0].astype(jnp.bfloat16),
                preferred_element_type=jnp.float32)
    h = jax.nn.gelu(h.astype(jnp.bfloat16) + b1_ref[0].astype(jnp.bfloat16))
    y = jnp.dot(h, w2_ref[0].astype(jnp.bfloat16),
                preferred_element_type=jnp.float32)
    yg_ref[...] = gm_ref[...] * (y + b2_ref[0])


def _ffn(bex, xg, w1, b1, w2, b2, gm):
    grid_spec = pltpu.PrefetchScalarGridSpec(
        num_scalar_prefetch=1,
        grid=(G,),
        in_specs=[
            pl.BlockSpec((BN, D), lambda g, bex: (g, 0)),
            pl.BlockSpec((1, D, DFF), lambda g, bex: (bex[g], 0, 0)),
            pl.BlockSpec((1, 1, DFF), lambda g, bex: (bex[g], 0, 0)),
            pl.BlockSpec((1, DFF, D), lambda g, bex: (bex[g], 0, 0)),
            pl.BlockSpec((1, 1, D), lambda g, bex: (bex[g], 0, 0)),
            pl.BlockSpec((BN, 1), lambda g, bex: (g, 0)),
        ],
        out_specs=pl.BlockSpec((BN, D), lambda g, bex: (g, 0)),
    )
    return pl.pallas_call(
        _ffn_body,
        grid_spec=grid_spec,
        out_shape=jax.ShapeDtypeStruct((M, D), jnp.float32),
        compiler_params=pltpu.CompilerParams(
            dimension_semantics=("arbitrary",),
        ),
    )(bex, xg, w1, b1, w2, b2, gm)


def _combine_body(da_hbm, db_hbm, yg_hbm, out_hbm, ia, ib, ra, rb, sa, sb):
    wid = lax.axis_index("s") * NC + lax.axis_index("c")
    base = pl.multiple_of(wid * CH_T, CH_T)
    pltpu.sync_copy(da_hbm.at[pl.ds(base, CH_T)], ia)
    pltpu.sync_copy(db_hbm.at[pl.ds(base, CH_T)], ib)
    ca = pltpu.async_copy(yg_hbm.at[ia], ra, sa)
    cb = pltpu.async_copy(yg_hbm.at[ib], rb, sb)
    ca.wait()
    cb.wait()

    @pl.loop(0, CH_T)
    def _r(r):
        for c in range(D // 16):
            sl = pl.ds(c * 16, 16)
            ra[r, sl] = ra[r, sl] + rb[r, sl]

    pltpu.sync_copy(ra, out_hbm.at[pl.ds(base, CH_T)])


@jax.jit
def kernel(x, gate_w, w1, b1, w2, b2):
    xp = jnp.pad(x, ((0, NPAD - N), (0, 0)))
    gwp = jnp.pad(gate_w, ((0, EPADG - E), (0, 0)))
    dest2, gv2, da2, db2, bex2 = _plan(xp, gwp)
    dispatch = pl.kernel(
        _dispatch_body,
        out_type=jax.ShapeDtypeStruct((M, D), jnp.float32),
        mesh=_mesh(),
        scratch_types=[pltpu.VMEM((CH_G,), jnp.int32),
                       pltpu.VMEM((CH_G, D), jnp.float32),
                       pltpu.SemaphoreType.DMA],
    )
    combine = pl.kernel(
        _combine_body,
        out_type=jax.ShapeDtypeStruct((NPAD, D), jnp.float32),
        mesh=_mesh(),
        scratch_types=[pltpu.VMEM((CH_T,), jnp.int32),
                       pltpu.VMEM((CH_T,), jnp.int32),
                       pltpu.VMEM((CH_T, D), jnp.float32),
                       pltpu.VMEM((CH_T, D), jnp.float32),
                       pltpu.SemaphoreType.DMA,
                       pltpu.SemaphoreType.DMA],
    )
    src, gm = _invert(dest2.reshape(1, M), gv2.reshape(M, 1))
    xg = dispatch(src.reshape(M), xp)
    yg = _ffn(bex2.reshape(32), xg, w1, b1[:, None, :], w2, b2[:, None, :],
              gm)
    out = combine(da2.reshape(NPAD), db2.reshape(NPAD), yg)
    return out[:N]

# --- scband reference (transcript-rebuilt; emitter-appended) ---
"""Pipeline reference for scband-gmoe-55542517072579 (READ-ONLY COPY).

The authoritative reference and input builder live on the scoring server;
editing this copy changes nothing except your own understanding.
"""

import jax, jax.numpy as jnp
import numpy as np

# Models one sparse-MoE transformer layer of GMOE (deit_small, cosine_top router,
# num_experts=6, topk=2, d_model=384, mlp_ratio=4 -> d_ff=1536).
# Token count N = 8 images * 197 patch tokens = 1576.

N = 1576
D = 384
DFF = 1536
E = 6
K = 2
TEMP = 0.07  # cosine router temperature (clamped logit scale)


def setup_inputs(seed: int = 0) -> dict:
    key = jax.random.key(seed)
    ks = jax.random.split(key, 6)
    x = jax.random.normal(ks[0], (N, D), dtype=jnp.float32)
    gate_w = jax.random.normal(ks[1], (E, D), dtype=jnp.float32) * 0.02
    w1 = jax.random.normal(ks[2], (E, D, DFF), dtype=jnp.float32) * 0.02
    b1 = jnp.zeros((E, DFF), dtype=jnp.float32)
    w2 = jax.random.normal(ks[3], (E, DFF, D), dtype=jnp.float32) * 0.02
    b2 = jnp.zeros((E, D), dtype=jnp.float32)
    return {"x": x, "gate_w": gate_w, "w1": w1, "b1": b1, "w2": w2, "b2": b2}


def reference(x, gate_w, w1, b1, w2, b2):
    eps = 1e-6
    # cosine_top router: cosine similarity between L2-normalized tokens and expert prototypes
    xn = x / (jnp.linalg.norm(x, axis=-1, keepdims=True) + eps)
    wn = gate_w / (jnp.linalg.norm(gate_w, axis=-1, keepdims=True) + eps)
    logits = (xn @ wn.T) / TEMP  # [N, E]
    # top-k gating with renormalized softmax over the selected experts
    topv, topi = jax.lax.top_k(logits, K)  # [N, K]
    gates = jax.nn.softmax(topv, axis=-1)  # [N, K]
    combine = jnp.zeros((x.shape[0], E), dtype=x.dtype)
    combine = combine.at[jnp.arange(x.shape[0])[:, None], topi].add(gates)  # [N, E]
    # expert FFNs (two-layer MLP with GELU), computed per expert and combined
    h = jnp.einsum('nd,edf->enf', x, w1) + b1[:, None, :]  # [E, N, DFF]
    h = jax.nn.gelu(h)
    y = jnp.einsum('enf,efd->end', h, w2) + b2[:, None, :]  # [E, N, D]
    out = jnp.einsum('ne,end->nd', combine, y)  # [N, D]
    return out

if __name__ == "__main__":
    import jax
    _d = setup_inputs()
    print(jax.jit(kernel)(*tuple(_d.values())))

</pallas_src>

<mosaic_0001>
#map = affine_map<(d0, d1) -> (0)>
#map1 = affine_map<(d0, d1) -> (0, 0)>
module attributes {stable_mosaic.version = 14 : i64} {
  func.func @_dispatch_body(%arg0: i32, %arg1: i32, %arg2: memref<4096xi32, #tpu.memory_space<hbm>>, %arg3: memref<2048x384xf32, #tpu.memory_space<hbm>>, %arg4: memref<4096x384xf32, #tpu.memory_space<hbm>>, %arg5: memref<128xi32, #tpu.memory_space<vmem>>, %arg6: memref<128x384xf32, #tpu.memory_space<vmem>>, %arg7: memref<!tpu.dma_semaphore, #tpu.memory_space<semaphore_mem>>) attributes {dimension_semantics = [#tpu.dimension_semantics<core_parallel>, #tpu.dimension_semantics<subcore_parallel>], iteration_bounds = array<i64: 2, 16>, scalar_prefetch = 0 : i64, scratch_operands = 3 : i64, tpu.core_type = #tpu.core_type<sc_vector_subcore>, window_params = [{transform_indices = #map}, {transform_indices = #map1}, {transform_indices = #map1}]} {
    %mul3A = arith.constant 2 : i32
    %mul3A_0 = arith.muli %arg1, %mul3A : i32
    %add3A = arith.addi %mul3A_0, %arg0 : i32
    %mul3A_1 = arith.constant 128 : i32
    %mul3A_2 = arith.muli %add3A, %mul3A_1 : i32
    %multiple_of3A = tpu.assume_multiple %mul3A_2, 128 : i32
    "tpu.region"() ({
      %run_scoped3A = tpu.sem_alloc : memref<!tpu.dma_semaphore, #tpu.memory_space<semaphore_mem>>
      %dma_start3A_13 = tpu.memref_slice %arg2[%multiple_of3A] : memref<4096xi32, #tpu.memory_space<hbm>> -> memref<128xi32, #tpu.memory_space<hbm>>
      %dma_start3A_14 = tpu.memref_slice %arg2[%multiple_of3A] : memref<4096xi32, #tpu.memory_space<hbm>> -> memref<128xi32, #tpu.memory_space<hbm>>
      tpu.enqueue_dma source(%dma_start3A_14 : memref<128xi32, #tpu.memory_space<hbm>>) target(%arg5 : memref<128xi32, #tpu.memory_space<vmem>>) target_semaphore(%run_scoped3A : memref<!tpu.dma_semaphore, #tpu.memory_space<semaphore_mem>>)
      %dma_wait3A_15 = tpu.memref_slice %arg2[%multiple_of3A] : memref<4096xi32, #tpu.memory_space<hbm>> -> memref<128xi32, #tpu.memory_space<hbm>>
      %dma_wait3A_16 = tpu.memref_slice %arg2[%multiple_of3A] : memref<4096xi32, #tpu.memory_space<hbm>> -> memref<128xi32, #tpu.memory_space<hbm>>
      tpu.wait_dma2 semaphore(%run_scoped3A : memref<!tpu.dma_semaphore, #tpu.memory_space<semaphore_mem>>) src(%dma_wait3A_16 : memref<128xi32, #tpu.memory_space<hbm>>) dst(%arg5 : memref<128xi32, #tpu.memory_space<vmem>>)
      tpu.yield
    }) : () -> ()
    %dma_start3A = arith.constant 0 : i32
    %dma_start3A_3 = arith.constant 0 : i32
    %dma_start3A_4 = tpu.memref_slice %arg3[%dma_start3A, %dma_start3A_3] : memref<2048x384xf32, #tpu.memory_space<hbm>> -> memref<128x384xf32, #tpu.memory_space<hbm>>
    %dma_start3A_5 = arith.constant 0 : i32
    %dma_start3A_6 = arith.constant 0 : i32
    %dma_start3A_7 = tpu.memref_slice %arg3[%dma_start3A_5, %dma_start3A_6] : memref<2048x384xf32, #tpu.memory_space<hbm>> -> memref<128x384xf32, #tpu.memory_space<hbm>>
    tpu.enqueue_dma source(%dma_start3A_7 : memref<128x384xf32, #tpu.memory_space<hbm>>) target(%arg6 : memref<128x384xf32, #tpu.memory_space<vmem>>) target_semaphore(%arg7 : memref<!tpu.dma_semaphore, #tpu.memory_space<semaphore_mem>>)
    %dma_wait3A = arith.constant 0 : i32
    %dma_wait3A_8 = arith.constant 0 : i32
    %dma_wait3A_9 = tpu.memref_slice %arg3[%dma_wait3A, %dma_wait3A_8] : memref<2048x384xf32, #tpu.memory_space<hbm>> -> memref<128x384xf32, #tpu.memory_space<hbm>>
    %dma_wait3A_10 = arith.constant 0 : i32
    %dma_wait3A_11 = arith.constant 0 : i32
    %dma_wait3A_12 = tpu.memref_slice %arg3[%dma_wait3A_10, %dma_wait3A_11] : memref<2048x384xf32, #tpu.memory_space<hbm>> -> memref<128x384xf32, #tpu.memory_space<hbm>>
    tpu.wait_dma2 semaphore(%arg7 : memref<!tpu.dma_semaphore, #tpu.memory_space<semaphore_mem>>) src(%dma_wait3A_12 : memref<128x384xf32, #tpu.memory_space<hbm>>) dst(%arg6 : memref<128x384xf32, #tpu.memory_space<vmem>>)
    "tpu.region"() ({
      %run_scoped3A = tpu.sem_alloc : memref<!tpu.dma_semaphore, #tpu.memory_space<semaphore_mem>>
      %dma_start3A_13 = arith.constant 0 : i32
      %dma_start3A_14 = tpu.memref_slice %arg4[%multiple_of3A, %dma_start3A_13] : memref<4096x384xf32, #tpu.memory_space<hbm>> -> memref<128x384xf32, #tpu.memory_space<hbm>>
      %dma_start3A_15 = arith.constant 0 : i32
      %dma_start3A_16 = tpu.memref_slice %arg4[%multiple_of3A, %dma_start3A_15] : memref<4096x384xf32, #tpu.memory_space<hbm>> -> memref<128x384xf32, #tpu.memory_space<hbm>>
      tpu.enqueue_dma source(%arg6 : memref<128x384xf32, #tpu.memory_space<vmem>>) target(%dma_start3A_16 : memref<128x384xf32, #tpu.memory_space<hbm>>) target_semaphore(%run_scoped3A : memref<!tpu.dma_semaphore, #tpu.memory_space<semaphore_mem>>)
      %dma_wait3A_17 = arith.constant 0 : i32
      %dma_wait3A_18 = tpu.memref_slice %arg4[%multiple_of3A, %dma_wait3A_17] : memref<4096x384xf32, #tpu.memory_space<hbm>> -> memref<128x384xf32, #tpu.memory_space<hbm>>
      %dma_wait3A_19 = arith.constant 0 : i32
      %dma_wait3A_20 = tpu.memref_slice %arg4[%multiple_of3A, %dma_wait3A_19] : memref<4096x384xf32, #tpu.memory_space<hbm>> -> memref<128x384xf32, #tpu.memory_space<hbm>>
      tpu.wait_dma2 semaphore(%run_scoped3A : memref<!tpu.dma_semaphore, #tpu.memory_space<semaphore_mem>>) src(%arg6 : memref<128x384xf32, #tpu.memory_space<vmem>>) dst(%dma_wait3A_20 : memref<128x384xf32, #tpu.memory_space<hbm>>)
      tpu.yield
    }) : () -> ()
    return
  }
}

#map = affine_map<(d0, d1) -> (0)>
#map1 = affine_map<(d0, d1) -> (0, 0)>
module attributes {stable_mosaic.version = 14 : i64} {
  func.func @_combine_body(%arg0: i32, %arg1: i32, %arg2: memref<2048xi32, #tpu.memory_space<hbm>>, %arg3: memref<2048xi32, #tpu.memory_space<hbm>>, %arg4: memref<4096x384xf32, #tpu.memory_space<hbm>>, %arg5: memref<2048x384xf32, #tpu.memory_space<hbm>>, %arg6: memref<64xi32, #tpu.memory_space<vmem>>, %arg7: memref<64xi32, #tpu.memory_space<vmem>>, %arg8: memref<64x384xf32, #tpu.memory_space<vmem>>, %arg9: memref<64x384xf32, #tpu.memory_space<vmem>>, %arg10: memref<!tpu.dma_semaphore, #tpu.memory_space<semaphore_mem>>, %arg11: memref<!tpu.dma_semaphore, #tpu.memory_space<semaphore_mem>>) attributes {dimension_semantics = [#tpu.dimension_semantics<core_parallel>, #tpu.dimension_semantics<subcore_parallel>], iteration_bounds = array<i64: 2, 16>, scalar_prefetch = 0 : i64, scratch_operands = 6 : i64, tpu.core_type = #tpu.core_type<sc_vector_subcore>, window_params = [{transform_indices = #map}, {transform_indices = #map}, {transform_indices = #map1}, {transform_indices = #map1}]} {
    %mul3A = arith.constant 2 : i32
    %mul3A_0 = arith.muli %arg1, %mul3A : i32
    %add3A = arith.addi %mul3A_0, %arg0 : i32
    %mul3A_1 = arith.constant 64 : i32
    %mul3A_2 = arith.muli %add3A, %mul3A_1 : i32
    %multiple_of3A = tpu.assume_multiple %mul3A_2, 64 : i32
    "tpu.region"() ({
      %run_scoped3A = tpu.sem_alloc : memref<!tpu.dma_semaphore, #tpu.memory_space<semaphore_mem>>
      %dma_start3A_17 = tpu.memref_slice %arg2[%multiple_of3A] : memref<2048xi32, #tpu.memory_space<hbm>> -> memref<64xi32, #tpu.memory_space<hbm>>
      %dma_start3A_18 = tpu.memref_slice %arg2[%multiple_of3A] : memref<2048xi32, #tpu.memory_space<hbm>> -> memref<64xi32, #tpu.memory_space<hbm>>
      tpu.enqueue_dma source(%dma_start3A_18 : memref<64xi32, #tpu.memory_space<hbm>>) target(%arg6 : memref<64xi32, #tpu.memory_space<vmem>>) target_semaphore(%run_scoped3A : memref<!tpu.dma_semaphore, #tpu.memory_space<semaphore_mem>>)
      %dma_wait3A_19 = tpu.memref_slice %arg2[%multiple_of3A] : memref<2048xi32, #tpu.memory_space<hbm>> -> memref<64xi32, #tpu.memory_space<hbm>>
      %dma_wait3A_20 = tpu.memref_slice %arg2[%multiple_of3A] : memref<2048xi32, #tpu.memory_space<hbm>> -> memref<64xi32, #tpu.memory_space<hbm>>
      tpu.wait_dma2 semaphore(%run_scoped3A : memref<!tpu.dma_semaphore, #tpu.memory_space<semaphore_mem>>) src(%dma_wait3A_20 : memref<64xi32, #tpu.memory_space<hbm>>) dst(%arg6 : memref<64xi32, #tpu.memory_space<vmem>>)
      tpu.yield
    }) : () -> ()
    "tpu.region"() ({
      %run_scoped3A = tpu.sem_alloc : memref<!tpu.dma_semaphore, #tpu.memory_space<semaphore_mem>>
      %dma_start3A_17 = tpu.memref_slice %arg3[%multiple_of3A] : memref<2048xi32, #tpu.memory_space<hbm>> -> memref<64xi32, #tpu.memory_space<hbm>>
      %dma_start3A_18 = tpu.memref_slice %arg3[%multiple_of3A] : memref<2048xi32, #tpu.memory_space<hbm>> -> memref<64xi32, #tpu.memory_space<hbm>>
      tpu.enqueue_dma source(%dma_start3A_18 : memref<64xi32, #tpu.memory_space<hbm>>) target(%arg7 : memref<64xi32, #tpu.memory_space<vmem>>) target_semaphore(%run_scoped3A : memref<!tpu.dma_semaphore, #tpu.memory_space<semaphore_mem>>)
      %dma_wait3A_19 = tpu.memref_slice %arg3[%multiple_of3A] : memref<2048xi32, #tpu.memory_space<hbm>> -> memref<64xi32, #tpu.memory_space<hbm>>
      %dma_wait3A_20 = tpu.memref_slice %arg3[%multiple_of3A] : memref<2048xi32, #tpu.memory_space<hbm>> -> memref<64xi32, #tpu.memory_space<hbm>>
      tpu.wait_dma2 semaphore(%run_scoped3A : memref<!tpu.dma_semaphore, #tpu.memory_space<semaphore_mem>>) src(%dma_wait3A_20 : memref<64xi32, #tpu.memory_space<hbm>>) dst(%arg7 : memref<64xi32, #tpu.memory_space<vmem>>)
      tpu.yield
    }) : () -> ()
    %dma_start3A = arith.constant 0 : i32
    %dma_start3A_3 = arith.constant 0 : i32
    %dma_start3A_4 = tpu.memref_slice %arg4[%dma_start3A, %dma_start3A_3] : memref<4096x384xf32, #tpu.memory_space<hbm>> -> memref<4096x384xf32, #tpu.memory_space<hbm>>
    tpu.enqueue_indirect_dma source(%dma_start3A_4 : memref<4096x384xf32, #tpu.memory_space<hbm>>) target(%arg8 : memref<64x384xf32, #tpu.memory_space<vmem>>) offsets(%arg6 : memref<64xi32, #tpu.memory_space<vmem>>) semaphore(%arg10 : memref<!tpu.dma_semaphore, #tpu.memory_space<semaphore_mem>>)
    %dma_start3A_5 = arith.constant 0 : i32
    %dma_start3A_6 = arith.constant 0 : i32
    %dma_start3A_7 = tpu.memref_slice %arg4[%dma_start3A_5, %dma_start3A_6] : memref<4096x384xf32, #tpu.memory_space<hbm>> -> memref<4096x384xf32, #tpu.memory_space<hbm>>
    tpu.enqueue_indirect_dma source(%dma_start3A_7 : memref<4096x384xf32, #tpu.memory_space<hbm>>) target(%arg9 : memref<64x384xf32, #tpu.memory_space<vmem>>) offsets(%arg7 : memref<64xi32, #tpu.memory_space<vmem>>) semaphore(%arg11 : memref<!tpu.dma_semaphore, #tpu.memory_space<semaphore_mem>>)
    %dma_wait3A = arith.constant 0 : i32
    %dma_wait3A_8 = arith.constant 0 : i32
    %dma_wait3A_9 = tpu.memref_slice %arg4[%dma_wait3A, %dma_wait3A_8] : memref<4096x384xf32, #tpu.memory_space<hbm>> -> memref<4096x384xf32, #tpu.memory_space<hbm>>
    tpu.wait_indirect_dma semaphore(%arg10 : memref<!tpu.dma_semaphore, #tpu.memory_space<semaphore_mem>>) src(%dma_wait3A_9 : memref<4096x384xf32, #tpu.memory_space<hbm>>) dst(%arg8 : memref<64x384xf32, #tpu.memory_space<vmem>>)
    %dma_wait3A_10 = arith.constant 0 : i32
    %dma_wait3A_11 = arith.constant 0 : i32
    %dma_wait3A_12 = tpu.memref_slice %arg4[%dma_wait3A_10, %dma_wait3A_11] : memref<4096x384xf32, #tpu.memory_space<hbm>> -> memref<4096x384xf32, #tpu.memory_space<hbm>>
    tpu.wait_indirect_dma semaphore(%arg11 : memref<!tpu.dma_semaphore, #tpu.memory_space<semaphore_mem>>) src(%dma_wait3A_12 : memref<4096x384xf32, #tpu.memory_space<hbm>>) dst(%arg9 : memref<64x384xf32, #tpu.memory_space<vmem>>)
    %scan3A = arith.constant 0 : i32
    %scan3A_13 = arith.constant 64 : i32
    %scan3A_14 = arith.addi %scan3A, %scan3A_13 : i32
    %scan3A_15 = arith.constant 1 : i32
    scf.for %scan3A_17 = %scan3A to %scan3A_14 step %scan3A_15  : i32 {
      %mul3A_18 = arith.constant 1 : i32
      %mul3A_19 = arith.muli %scan3A_17, %mul3A_18 : i32
      %add3A_20 = arith.constant 0 : i32
      %add3A_21 = arith.addi %add3A_20, %mul3A_19 : i32
      %get3A = arith.index_cast %add3A_21 : i32 to index
      %get3A_22 = arith.constant 0 : index
      %get3A_23 = tpu.vector_load %arg8[%get3A, %get3A_22] {strides = array<i32>} : memref<64x384xf32, #tpu.memory_space<vmem>>, vector<1x16xf32>,
      %get3A_24 = vector.shape_cast %get3A_23 : vector<1x16xf32> to vector<16xf32>
      %get3A_25 = arith.index_cast %add3A_21 : i32 to index
      %get3A_26 = arith.constant 0 : index
      %get3A_27 = tpu.vector_load %arg9[%get3A_25, %get3A_26] {strides = array<i32>} : memref<64x384xf32, #tpu.memory_space<vmem>>, vector<1x16xf32>,
      %get3A_28 = vector.shape_cast %get3A_27 : vector<1x16xf32> to vector<16xf32>
      %add3A_29 = arith.addf %get3A_24, %get3A_28 : vector<16xf32>
      %swap3A = arith.index_cast %add3A_21 : i32 to index
      %swap3A_30 = arith.constant 0 : index
      %swap3A_31 = tpu.vector_load %arg8[%swap3A, %swap3A_30] {strides = array<i32>} : memref<64x384xf32, #tpu.memory_space<vmem>>, vector<1x16xf32>,
      %swap3A_32 = vector.shape_cast %swap3A_31 : vector<1x16xf32> to vector<16xf32>
      %swap3A_33 = vector.shape_cast %add3A_29 : vector<16xf32> to vector<1x16xf32>
      tpu.vector_store %arg8[%swap3A, %swap3A_30], %swap3A_33 {strides = array<i32>} : memref<64x384xf32, #tpu.memory_space<vmem>>, vector<1x16xf32>,
      %get3A_34 = arith.index_cast %add3A_21 : i32 to index
      %get3A_35 = arith.constant 16 : index
      %get3A_36 = tpu.vector_load %arg8[%get3A_34, %get3A_35] {strides = array<i32>} : memref<64x384xf32, #tpu.memory_space<vmem>>, vector<1x16xf32>,
      %get3A_37 = vector.shape_cast %get3A_36 : vector<1x16xf32> to vector<16xf32>
      %get3A_38 = arith.index_cast %add3A_21 : i32 to index
      %get3A_39 = arith.constant 16 : index
      %get3A_40 = tpu.vector_load %arg9[%get3A_38, %get3A_39] {strides = array<i32>} : memref<64x384xf32, #tpu.memory_space<vmem>>, vector<1x16xf32>,
      %get3A_41 = vector.shape_cast %get3A_40 : vector<1x16xf32> to vector<16xf32>
      %add3A_42 = arith.addf %get3A_37, %get3A_41 : vector<16xf32>
      %swap3A_43 = arith.index_cast %add3A_21 : i32 to index
      %swap3A_44 = arith.constant 16 : index
      %swap3A_45 = tpu.vector_load %arg8[%swap3A_43, %swap3A_44] {strides = array<i32>} : memref<64x384xf32, #tpu.memory_space<vmem>>, vector<1x16xf32>,
      %swap3A_46 = vector.shape_cast %swap3A_45 : vector<1x16xf32> to vector<16xf32>
      %swap3A_47 = vector.shape_cast %add3A_42 : vector<16xf32> to vector<1x16xf32>
      tpu.vector_store %arg8[%swap3A_43, %swap3A_44], %swap3A_47 {strides = array<i32>} : memref<64x384xf32, #tpu.memory_space<vmem>>, vector<1x16xf32>,
      %get3A_48 = arith.index_cast %add3A_21 : i32 to index
      %get3A_49 = arith.constant 32 : index
      %get3A_50 = tpu.vector_load %arg8[%get3A_48, %get3A_49] {strides = array<i32>} : memref<64x384xf32, #tpu.memory_space<vmem>>, vector<1x16xf32>,
      %get3A_51 = vector.shape_cast %get3A_50 : vector<1x16xf32> to vector<16xf32>
      %get3A_52 = arith.index_cast %add3A_21 : i32 to index
      %get3A_53 = arith.constant 32 : index
      %get3A_54 = tpu.vector_load %arg9[%get3A_52, %get3A_53] {strides = array<i32>} : memref<64x384xf32, #tpu.memory_space<vmem>>, vector<1x16xf32>,
      %get3A_55 = vector.shape_cast %get3A_54 : vector<1x16xf32> to vector<16xf32>
      %add3A_56 = arith.addf %get3A_51, %get3A_55 : vector<16xf32>
      %swap3A_57 = arith.index_cast %add3A_21 : i32 to index
      %swap3A_58 = arith.constant 32 : index
      %swap3A_59 = tpu.vector_load %arg8[%swap3A_57, %swap3A_58] {strides = array<i32>} : memref<64x384xf32, #tpu.memory_space<vmem>>, vector<1x16xf32>,
      %swap3A_60 = vector.shape_cast %swap3A_59 : vector<1x16xf32> to vector<16xf32>
      %swap3A_61 = vector.shape_cast %add3A_56 : vector<16xf32> to vector<1x16xf32>
      tpu.vector_store %arg8[%swap3A_57, %swap3A_58], %swap3A_61 {strides = array<i32>} : memref<64x384xf32, #tpu.memory_space<vmem>>, vector<1x16xf32>,
      %get3A_62 = arith.index_cast %add3A_21 : i32 to index
      %get3A_63 = arith.constant 48 : index
      %get3A_64 = tpu.vector_load %arg8[%get3A_62, %get3A_63] {strides = array<i32>} : memref<64x384xf32, #tpu.memory_space<vmem>>, vector<1x16xf32>,
      %get3A_65 = vector.shape_cast %get3A_64 : vector<1x16xf32> to vector<16xf32>
      %get3A_66 = arith.index_cast %add3A_21 : i32 to index
      %get3A_67 = arith.constant 48 : index
      %get3A_68 = tpu.vector_load %arg9[%get3A_66, %get3A_67] {strides = array<i32>} : memref<64x384xf32, #tpu.memory_space<vmem>>, vector<1x16xf32>,
      %get3A_69 = vector.shape_cast %get3A_68 : vector<1x16xf32> to vector<16xf32>
      %add3A_70 = arith.addf %get3A_65, %get3A_69 : vector<16xf32>
      %swap3A_71 = arith.index_cast %add3A_21 : i32 to index
      %swap3A_72 = arith.constant 48 : index
      %swap3A_73 = tpu.vector_load %arg8[%swap3A_71, %swap3A_72] {strides = array<i32>} : memref<64x384xf32, #tpu.memory_space<vmem>>, vector<1x16xf32>,
      %swap3A_74 = vector.shape_cast %swap3A_73 : vector<1x16xf32> to vector<16xf32>
      %swap3A_75 = vector.shape_cast %add3A_70 : vector<16xf32> to vector<1x16xf32>
      tpu.vector_store %arg8[%swap3A_71, %swap3A_72], %swap3A_75 {strides = array<i32>} : memref<64x384xf32, #tpu.memory_space<vmem>>, vector<1x16xf32>,
      %get3A_76 = arith.index_cast %add3A_21 : i32 to index
      %get3A_77 = arith.constant 64 : index
      %get3A_78 = tpu.vector_load %arg8[%get3A_76, %get3A_77] {strides = array<i32>} : memref<64x384xf32, #tpu.memory_space<vmem>>, vector<1x16xf32>,
      %get3A_79 = vector.shape_cast %get3A_78 : vector<1x16xf32> to vector<16xf32>
      %get3A_80 = arith.index_cast %add3A_21 : i32 to index
      %get3A_81 = arith.constant 64 : index
      %get3A_82 = tpu.vector_load %arg9[%get3A_80, %get3A_81] {strides = array<i32>} : memref<64x384xf32, #tpu.memory_space<vmem>>, vector<1x16xf32>,
      %get3A_83 = vector.shape_cast %get3A_82 : vector<1x16xf32> to vector<16xf32>
      %add3A_84 = arith.addf %get3A_79, %get3A_83 : vector<16xf32>
      %swap3A_85 = arith.index_cast %add3A_21 : i32 to index
      %swap3A_86 = arith.constant 64 : index
      %swap3A_87 = tpu.vector_load %arg8[%swap3A_85, %swap3A_86] {strides = array<i32>} : memref<64x384xf32, #tpu.memory_space<vmem>>, vector<1x16xf32>,
      %swap3A_88 = vector.shape_cast %swap3A_87 : vector<1x16xf32> to vector<16xf32>
      %swap3A_89 = vector.shape_cast %add3A_84 : vector<16xf32> to vector<1x16xf32>
      tpu.vector_store %arg8[%swap3A_85, %swap3A_86], %swap3A_89 {strides = array<i32>} : memref<64x384xf32, #tpu.memory_space<vmem>>, vector<1x16xf32>,
      %get3A_90 = arith.index_cast %add3A_21 : i32 to index
      %get3A_91 = arith.constant 80 : index
      %get3A_92 = tpu.vector_load %arg8[%get3A_90, %get3A_91] {strides = array<i32>} : memref<64x384xf32, #tpu.memory_space<vmem>>, vector<1x16xf32>,
      %get3A_93 = vector.shape_cast %get3A_92 : vector<1x16xf32> to vector<16xf32>
      %get3A_94 = arith.index_cast %add3A_21 : i32 to index
      %get3A_95 = arith.constant 80 : index
      %get3A_96 = tpu.vector_load %arg9[%get3A_94, %get3A_95] {strides = array<i32>} : memref<64x384xf32, #tpu.memory_space<vmem>>, vector<1x16xf32>,
      %get3A_97 = vector.shape_cast %get3A_96 : vector<1x16xf32> to vector<16xf32>
      %add3A_98 = arith.addf %get3A_93, %get3A_97 : vector<16xf32>
      %swap3A_99 = arith.index_cast %add3A_21 : i32 to index
      %swap3A_100 = arith.constant 80 : index
      %swap3A_101 = tpu.vector_load %arg8[%swap3A_99, %swap3A_100] {strides = array<i32>} : memref<64x384xf32, #tpu.memory_space<vmem>>, vector<1x16xf32>,
      %swap3A_102 = vector.shape_cast %swap3A_101 : vector<1x16xf32> to vector<16xf32>
      %swap3A_103 = vector.shape_cast %add3A_98 : vector<16xf32> to vector<1x16xf32>
      tpu.vector_store %arg8[%swap3A_99, %swap3A_100], %swap3A_103 {strides = array<i32>} : memref<64x384xf32, #tpu.memory_space<vmem>>, vector<1x16xf32>,
      %get3A_104 = arith.index_cast %add3A_21 : i32 to index
      %get3A_105 = arith.constant 96 : index
      %get3A_106 = tpu.vector_load %arg8[%get3A_104, %get3A_105] {strides = array<i32>} : memref<64x384xf32, #tpu.memory_space<vmem>>, vector<1x16xf32>,
      %get3A_107 = vector.shape_cast %get3A_106 : vector<1x16xf32> to vector<16xf32>
      %get3A_108 = arith.index_cast %add3A_21 : i32 to index
      %get3A_109 = arith.constant 96 : index
      %get3A_110 = tpu.vector_load %arg9[%get3A_108, %get3A_109] {strides = array<i32>} : memref<64x384xf32, #tpu.memory_space<vmem>>, vector<1x16xf32>,
      %get3A_111 = vector.shape_cast %get3A_110 : vector<1x16xf32> to vector<16xf32>
      %add3A_112 = arith.addf %get3A_107, %get3A_111 : vector<16xf32>
      %swap3A_113 = arith.index_cast %add3A_21 : i32 to index
      %swap3A_114 = arith.constant 96 : index
      %swap3A_115 = tpu.vector_load %arg8[%swap3A_113, %swap3A_114] {strides = array<i32>} : memref<64x384xf32, #tpu.memory_space<vmem>>, vector<1x16xf32>,
      %swap3A_116 = vector.shape_cast %swap3A_115 : vector<1x16xf32> to vector<16xf32>
      %swap3A_117 = vector.shape_cast %add3A_112 : vector<16xf32> to vector<1x16xf32>
      tpu.vector_store %arg8[%swap3A_113, %swap3A_114], %swap3A_117 {strides = array<i32>} : memref<64x384xf32, #tpu.memory_space<vmem>>, vector<1x16xf32>,
      %get3A_118 = arith.index_cast %add3A_21 : i32 to index
      %get3A_119 = arith.constant 112 : index
      %get3A_120 = tpu.vector_load %arg8[%get3A_118, %get3A_119] {strides = array<i32>} : memref<64x384xf32, #tpu.memory_space<vmem>>, vector<1x16xf32>,
      %get3A_121 = vector.shape_cast %get3A_120 : vector<1x16xf32> to vector<16xf32>
      %get3A_122 = arith.index_cast %add3A_21 : i32 to index
      %get3A_123 = arith.constant 112 : index
      %get3A_124 = tpu.vector_load %arg9[%get3A_122, %get3A_123] {strides = array<i32>} : memref<64x384xf32, #tpu.memory_space<vmem>>, vector<1x16xf32>,
      %get3A_125 = vector.shape_cast %get3A_124 : vector<1x16xf32> to vector<16xf32>
      %add3A_126 = arith.addf %get3A_121, %get3A_125 : vector<16xf32>
      %swap3A_127 = arith.index_cast %add3A_21 : i32 to index
      %swap3A_128 = arith.constant 112 : index
      %swap3A_129 = tpu.vector_load %arg8[%swap3A_127, %swap3A_128] {strides = array<i32>} : memref<64x384xf32, #tpu.memory_space<vmem>>, vector<1x16xf32>,
      %swap3A_130 = vector.shape_cast %swap3A_129 : vector<1x16xf32> to vector<16xf32>
      %swap3A_131 = vector.shape_cast %add3A_126 : vector<16xf32> to vector<1x16xf32>
      tpu.vector_store %arg8[%swap3A_127, %swap3A_128], %swap3A_131 {strides = array<i32>} : memref<64x384xf32, #tpu.memory_space<vmem>>, vector<1x16xf32>,
      %get3A_132 = arith.index_cast %add3A_21 : i32 to index
      %get3A_133 = arith.constant 128 : index
      %get3A_134 = tpu.vector_load %arg8[%get3A_132, %get3A_133] {strides = array<i32>} : memref<64x384xf32, #tpu.memory_space<vmem>>, vector<1x16xf32>,
      %get3A_135 = vector.shape_cast %get3A_134 : vector<1x16xf32> to vector<16xf32>
      %get3A_136 = arith.index_cast %add3A_21 : i32 to index
      %get3A_137 = arith.constant 128 : index
      %get3A_138 = tpu.vector_load %arg9[%get3A_136, %get3A_137] {strides = array<i32>} : memref<64x384xf32, #tpu.memory_space<vmem>>, vector<1x16xf32>,
      %get3A_139 = vector.shape_cast %get3A_138 : vector<1x16xf32> to vector<16xf32>
      %add3A_140 = arith.addf %get3A_135, %get3A_139 : vector<16xf32>
      %swap3A_141 = arith.index_cast %add3A_21 : i32 to index
      %swap3A_142 = arith.constant 128 : index
      %swap3A_143 = tpu.vector_load %arg8[%swap3A_141, %swap3A_142] {strides = array<i32>} : memref<64x384xf32, #tpu.memory_space<vmem>>, vector<1x16xf32>,
      %swap3A_144 = vector.shape_cast %swap3A_143 : vector<1x16xf32> to vector<16xf32>
      %swap3A_145 = vector.shape_cast %add3A_140 : vector<16xf32> to vector<1x16xf32>
      tpu.vector_store %arg8[%swap3A_141, %swap3A_142], %swap3A_145 {strides = array<i32>} : memref<64x384xf32, #tpu.memory_space<vmem>>, vector<1x16xf32>,
      %get3A_146 = arith.index_cast %add3A_21 : i32 to index
      %get3A_147 = arith.constant 144 : index
      %get3A_148 = tpu.vector_load %arg8[%get3A_146, %get3A_147] {strides = array<i32>} : memref<64x384xf32, #tpu.memory_space<vmem>>, vector<1x16xf32>,
      %get3A_149 = vector.shape_cast %get3A_148 : vector<1x16xf32> to vector<16xf32>
      %get3A_150 = arith.index_cast %add3A_21 : i32 to index
      %get3A_151 = arith.constant 144 : index
      %get3A_152 = tpu.vector_load %arg9[%get3A_150, %get3A_151] {strides = array<i32>} : memref<64x384xf32, #tpu.memory_space<vmem>>, vector<1x16xf32>,
      %get3A_153 = vector.shape_cast %get3A_152 : vector<1x16xf32> to vector<16xf32>
      %add3A_154 = arith.addf %get3A_149, %get3A_153 : vector<16xf32>
      %swap3A_155 = arith.index_cast %add3A_21 : i32 to index
      %swap3A_156 = arith.constant 144 : index
      %swap3A_157 = tpu.vector_load %arg8[%swap3A_155, %swap3A_156] {strides = array<i32>} : memref<64x384xf32, #tpu.memory_space<vmem>>, vector<1x16xf32>,
      %swap3A_158 = vector.shape_cast %swap3A_157 : vector<1x16xf32> to vector<16xf32>
      %swap3A_159 = vector.shape_cast %add3A_154 : vector<16xf32> to vector<1x16xf32>
      tpu.vector_store %arg8[%swap3A_155, %swap3A_156], %swap3A_159 {strides = array<i32>} : memref<64x384xf32, #tpu.memory_space<vmem>>, vector<1x16xf32>,
      %get3A_160 = arith.index_cast %add3A_21 : i32 to index
      %get3A_161 = arith.constant 160 : index
      %get3A_162 = tpu.vector_load %arg8[%get3A_160, %get3A_161] {strides = array<i32>} : memref<64x384xf32, #tpu.memory_space<vmem>>, vector<1x16xf32>,
      %get3A_163 = vector.shape_cast %get3A_162 : vector<1x16xf32> to vector<16xf32>
      %get3A_164 = arith.index_cast %add3A_21 : i32 to index
      %get3A_165 = arith.constant 160 : index
      %get3A_166 = tpu.vector_load %arg9[%get3A_164, %get3A_165] {strides = array<i32>} : memref<64x384xf32, #tpu.memory_space<vmem>>, vector<1x16xf32>,
      %get3A_167 = vector.shape_cast %get3A_166 : vector<1x16xf32> to vector<16xf32>
      %add3A_168 = arith.addf %get3A_163, %get3A_167 : vector<16xf32>
      %swap3A_169 = arith.index_cast %add3A_21 : i32 to index
      %swap3A_170 = arith.constant 160 : index
      %swap3A_171 = tpu.vector_load %arg8[%swap3A_169, %swap3A_170] {strides = array<i32>} : memref<64x384xf32, #tpu.memory_space<vmem>>, vector<1x16xf32>,
      %swap3A_172 = vector.shape_cast %swap3A_171 : vector<1x16xf32> to vector<16xf32>
      %swap3A_173 = vector.shape_cast %add3A_168 : vector<16xf32> to vector<1x16xf32>
      tpu.vector_store %arg8[%swap3A_169, %swap3A_170], %swap3A_173 {strides = array<i32>} : memref<64x384xf32, #tpu.memory_space<vmem>>, vector<1x16xf32>,
      %get3A_174 = arith.index_cast %add3A_21 : i32 to index
      %get3A_175 = arith.constant 176 : index
      %get3A_176 = tpu.vector_load %arg8[%get3A_174, %get3A_175] {strides = array<i32>} : memref<64x384xf32, #tpu.memory_space<vmem>>, vector<1x16xf32>,
      %get3A_177 = vector.shape_cast %get3A_176 : vector<1x16xf32> to vector<16xf32>
      %get3A_178 = arith.index_cast %add3A_21 : i32 to index
      %get3A_179 = arith.constant 176 : index
      %get3A_180 = tpu.vector_load %arg9[%get3A_178, %get3A_179] {strides = array<i32>} : memref<64x384xf32, #tpu.memory_space<vmem>>, vector<1x16xf32>,
      %get3A_181 = vector.shape_cast %get3A_180 : vector<1x16xf32> to vector<16xf32>
      %add3A_182 = arith.addf %get3A_177, %get3A_181 : vector<16xf32>
      %swap3A_183 = arith.index_cast %add3A_21 : i32 to index
      %swap3A_184 = arith.constant 176 : index
      %swap3A_185 = tpu.vector_load %arg8[%swap3A_183, %swap3A_184] {strides = array<i32>} : memref<64x384xf32, #tpu.memory_space<vmem>>, vector<1x16xf32>,
      %swap3A_186 = vector.shape_cast %swap3A_185 : vector<1x16xf32> to vector<16xf32>
      %swap3A_187 = vector.shape_cast %add3A_182 : vector<16xf32> to vector<1x16xf32>
      tpu.vector_store %arg8[%swap3A_183, %swap3A_184], %swap3A_187 {strides = array<i32>} : memref<64x384xf32, #tpu.memory_space<vmem>>, vector<1x16xf32>,
      %get3A_188 = arith.index_cast %add3A_21 : i32 to index
      %get3A_189 = arith.constant 192 : index
      %get3A_190 = tpu.vector_load %arg8[%get3A_188, %get3A_189] {strides = array<i32>} : memref<64x384xf32, #tpu.memory_space<vmem>>, vector<1x16xf32>,
      %get3A_191 = vector.shape_cast %get3A_190 : vector<1x16xf32> to vector<16xf32>
      %get3A_192 = arith.index_cast %add3A_21 : i32 to index
      %get3A_193 = arith.constant 192 : index
      %get3A_194 = tpu.vector_load %arg9[%get3A_192, %get3A_193] {strides = array<i32>} : memref<64x384xf32, #tpu.memory_space<vmem>>, vector<1x16xf32>,
      %get3A_195 = vector.shape_cast %get3A_194 : vector<1x16xf32> to vector<16xf32>
      %add3A_196 = arith.addf %get3A_191, %get3A_195 : vector<16xf32>
      %swap3A_197 = arith.index_cast %add3A_21 : i32 to index
      %swap3A_198 = arith.constant 192 : index
      %swap3A_199 = tpu.vector_load %arg8[%swap3A_197, %swap3A_198] {strides = array<i32>} : memref<64x384xf32, #tpu.memory_space<vmem>>, vector<1x16xf32>,
      %swap3A_200 = vector.shape_cast %swap3A_199 : vector<1x16xf32> to vector<16xf32>
      %swap3A_201 = vector.shape_cast %add3A_196 : vector<16xf32> to vector<1x16xf32>
      tpu.vector_store %arg8[%swap3A_197, %swap3A_198], %swap3A_201 {strides = array<i32>} : memref<64x384xf32, #tpu.memory_space<vmem>>, vector<1x16xf32>,
      %get3A_202 = arith.index_cast %add3A_21 : i32 to index
      %get3A_203 = arith.constant 208 : index
      %get3A_204 = tpu.vector_load %arg8[%get3A_202, %get3A_203] {strides = array<i32>} : memref<64x384xf32, #tpu.memory_space<vmem>>, vector<1x16xf32>,
      %get3A_205 = vector.shape_cast %get3A_204 : vector<1x16xf32> to vector<16xf32>
      %get3A_206 = arith.index_cast %add3A_21 : i32 to index
      %get3A_207 = arith.constant 208 : index
      %get3A_208 = tpu.vector_load %arg9[%get3A_206, %get3A_207] {strides = array<i32>} : memref<64x384xf32, #tpu.memory_space<vmem>>, vector<1x16xf32>,
      %get3A_209 = vector.shape_cast %get3A_208 : vector<1x16xf32> to vector<16xf32>
      %add3A_210 = arith.addf %get3A_205, %get3A_209 : vector<16xf32>
      %swap3A_211 = arith.index_cast %add3A_21 : i32 to index
      %swap3A_212 = arith.constant 208 : index
      %swap3A_213 = tpu.vector_load %arg8[%swap3A_211, %swap3A_212] {strides = array<i32>} : memref<64x384xf32, #tpu.memory_space<vmem>>, vector<1x16xf32>,
      %swap3A_214 = vector.shape_cast %swap3A_213 : vector<1x16xf32> to vector<16xf32>
      %swap3A_215 = vector.shape_cast %add3A_210 : vector<16xf32> to vector<1x16xf32>
      tpu.vector_store %arg8[%swap3A_211, %swap3A_212], %swap3A_215 {strides = array<i32>} : memref<64x384xf32, #tpu.memory_space<vmem>>, vector<1x16xf32>,
      %get3A_216 = arith.index_cast %add3A_21 : i32 to index
      %get3A_217 = arith.constant 224 : index
      %get3A_218 = tpu.vector_load %arg8[%get3A_216, %get3A_217] {strides = array<i32>} : memref<64x384xf32, #tpu.memory_space<vmem>>, vector<1x16xf32>,
      %get3A_219 = vector.shape_cast %get3A_218 : vector<1x16xf32> to vector<16xf32>
      %get3A_220 = arith.index_cast %add3A_21 : i32 to index
      %get3A_221 = arith.constant 224 : index
      %get3A_222 = tpu.vector_load %arg9[%get3A_220, %get3A_221] {strides = array<i32>} : memref<64x384xf32, #tpu.memory_space<vmem>>, vector<1x16xf32>,
      %get3A_223 = vector.shape_cast %get3A_222 : vector<1x16xf32> to vector<16xf32>
      %add3A_224 = arith.addf %get3A_219, %get3A_223 : vector<16xf32>
      %swap3A_225 = arith.index_cast %add3A_21 : i32 to index
      %swap3A_226 = arith.constant 224 : index
      %swap3A_227 = tpu.vector_load %arg8[%swap3A_225, %swap3A_226] {strides = array<i32>} : memref<64x384xf32, #tpu.memory_space<vmem>>, vector<1x16xf32>,
      %swap3A_228 = vector.shape_cast %swap3A_227 : vector<1x16xf32> to vector<16xf32>
      %swap3A_229 = vector.shape_cast %add3A_224 : vector<16xf32> to vector<1x16xf32>
      tpu.vector_store %arg8[%swap3A_225, %swap3A_226], %swap3A_229 {strides = array<i32>} : memref<64x384xf32, #tpu.memory_space<vmem>>, vector<1x16xf32>,
      %get3A_230 = arith.index_cast %add3A_21 : i32 to index
      %get3A_231 = arith.constant 240 : index
      %get3A_232 = tpu.vector_load %arg8[%get3A_230, %get3A_231] {strides = array<i32>} : memref<64x384xf32, #tpu.memory_space<vmem>>, vector<1x16xf32>,
      %get3A_233 = vector.shape_cast %get3A_232 : vector<1x16xf32> to vector<16xf32>
      %get3A_234 = arith.index_cast %add3A_21 : i32 to index
      %get3A_235 = arith.constant 240 : index
      %get3A_236 = tpu.vector_load %arg9[%get3A_234, %get3A_235] {strides = array<i32>} : memref<64x384xf32, #tpu.memory_space<vmem>>, vector<1x16xf32>,
      %get3A_237 = vector.shape_cast %get3A_236 : vector<1x16xf32> to vector<16xf32>
      %add3A_238 = arith.addf %get3A_233, %get3A_237 : vector<16xf32>
      %swap3A_239 = arith.index_cast %add3A_21 : i32 to index
      %swap3A_240 = arith.constant 240 : index
      %swap3A_241 = tpu.vector_load %arg8[%swap3A_239, %swap3A_240] {strides = array<i32>} : memref<64x384xf32, #tpu.memory_space<vmem>>, vector<1x16xf32>,
      %swap3A_242 = vector.shape_cast %swap3A_241 : vector<1x16xf32> to vector<16xf32>
      %swap3A_243 = vector.shape_cast %add3A_238 : vector<16xf32> to vector<1x16xf32>
      tpu.vector_store %arg8[%swap3A_239, %swap3A_240], %swap3A_243 {strides = array<i32>} : memref<64x384xf32, #tpu.memory_space<vmem>>, vector<1x16xf32>,
      %get3A_244 = arith.index_cast %add3A_21 : i32 to index
      %get3A_245 = arith.constant 256 : index
      %get3A_246 = tpu.vector_load %arg8[%get3A_244, %get3A_245] {strides = array<i32>} : memref<64x384xf32, #tpu.memory_space<vmem>>, vector<1x16xf32>,
      %get3A_247 = vector.shape_cast %get3A_246 : vector<1x16xf32> to vector<16xf32>
      %get3A_248 = arith.index_cast %add3A_21 : i32 to index
      %get3A_249 = arith.constant 256 : index
      %get3A_250 = tpu.vector_load %arg9[%get3A_248, %get3A_249] {strides = array<i32>} : memref<64x384xf32, #tpu.memory_space<vmem>>, vector<1x16xf32>,
      %get3A_251 = vector.shape_cast %get3A_250 : vector<1x16xf32> to vector<16xf32>
      %add3A_252 = arith.addf %get3A_247, %get3A_251 : vector<16xf32>
      %swap3A_253 = arith.index_cast %add3A_21 : i32 to index
      %swap3A_254 = arith.constant 256 : index
      %swap3A_255 = tpu.vector_load %arg8[%swap3A_253, %swap3A_254] {strides = array<i32>} : memref<64x384xf32, #tpu.memory_space<vmem>>, vector<1x16xf32>,
      %swap3A_256 = vector.shape_cast %swap3A_255 : vector<1x16xf32> to vector<16xf32>
      %swap3A_257 = vector.shape_cast %add3A_252 : vector<16xf32> to vector<1x16xf32>
      tpu.vector_store %arg8[%swap3A_253, %swap3A_254], %swap3A_257 {strides = array<i32>} : memref<64x384xf32, #tpu.memory_space<vmem>>, vector<1x16xf32>,
      %get3A_258 = arith.index_cast %add3A_21 : i32 to index
      %get3A_259 = arith.constant 272 : index
      %get3A_260 = tpu.vector_load %arg8[%get3A_258, %get3A_259] {strides = array<i32>} : memref<64x384xf32, #tpu.memory_space<vmem>>, vector<1x16xf32>,
      %get3A_261 = vector.shape_cast %get3A_260 : vector<1x16xf32> to vector<16xf32>
      %get3A_262 = arith.index_cast %add3A_21 : i32 to index
      %get3A_263 = arith.constant 272 : index
      %get3A_264 = tpu.vector_load %arg9[%get3A_262, %get3A_263] {strides = array<i32>} : memref<64x384xf32, #tpu.memory_space<vmem>>, vector<1x16xf32>,
      %get3A_265 = vector.shape_cast %get3A_264 : vector<1x16xf32> to vector<16xf32>
      %add3A_266 = arith.addf %get3A_261, %get3A_265 : vector<16xf32>
      %swap3A_267 = arith.index_cast %add3A_21 : i32 to index
      %swap3A_268 = arith.constant 272 : index
      %swap3A_269 = tpu.vector_load %arg8[%swap3A_267, %swap3A_268] {strides = array<i32>} : memref<64x384xf32, #tpu.memory_space<vmem>>, vector<1x16xf32>,
      %swap3A_270 = vector.shape_cast %swap3A_269 : vector<1x16xf32> to vector<16xf32>
      %swap3A_271 = vector.shape_cast %add3A_266 : vector<16xf32> to vector<1x16xf32>
      tpu.vector_store %arg8[%swap3A_267, %swap3A_268], %swap3A_271 {strides = array<i32>} : memref<64x384xf32, #tpu.memory_space<vmem>>, vector<1x16xf32>,
      %get3A_272 = arith.index_cast %add3A_21 : i32 to index
      %get3A_273 = arith.constant 288 : index
      %get3A_274 = tpu.vector_load %arg8[%get3A_272, %get3A_273] {strides = array<i32>} : memref<64x384xf32, #tpu.memory_space<vmem>>, vector<1x16xf32>,
      %get3A_275 = vector.shape_cast %get3A_274 : vector<1x16xf32> to vector<16xf32>
      %get3A_276 = arith.index_cast %add3A_21 : i32 to index
      %get3A_277 = arith.constant 288 : index
      %get3A_278 = tpu.vector_load %arg9[%get3A_276, %get3A_277] {strides = array<i32>} : memref<64x384xf32, #tpu.memory_space<vmem>>, vector<1x16xf32>,
      %get3A_279 = vector.shape_cast %get3A_278 : vector<1x16xf32> to vector<16xf32>
      %add3A_280 = arith.addf %get3A_275, %get3A_279 : vector<16xf32>
      %swap3A_281 = arith.index_cast %add3A_21 : i32 to index
      %swap3A_282 = arith.constant 288 : index
      %swap3A_283 = tpu.vector_load %arg8[%swap3A_281, %swap3A_282] {strides = array<i32>} : memref<64x384xf32, #tpu.memory_space<vmem>>, vector<1x16xf32>,
      %swap3A_284 = vector.shape_cast %swap3A_283 : vector<1x16xf32> to vector<16xf32>
      %swap3A_285 = vector.shape_cast %add3A_280 : vector<16xf32> to vector<1x16xf32>
      tpu.vector_store %arg8[%swap3A_281, %swap3A_282], %swap3A_285 {strides = array<i32>} : memref<64x384xf32, #tpu.memory_space<vmem>>, vector<1x16xf32>,
      %get3A_286 = arith.index_cast %add3A_21 : i32 to index
      %get3A_287 = arith.constant 304 : index
      %get3A_288 = tpu.vector_load %arg8[%get3A_286, %get3A_287] {strides = array<i32>} : memref<64x384xf32, #tpu.memory_space<vmem>>, vector<1x16xf32>,
      %get3A_289 = vector.shape_cast %get3A_288 : vector<1x16xf32> to vector<16xf32>
      %get3A_290 = arith.index_cast %add3A_21 : i32 to index
      %get3A_291 = arith.constant 304 : index
      %get3A_292 = tpu.vector_load %arg9[%get3A_290, %get3A_291] {strides = array<i32>} : memref<64x384xf32, #tpu.memory_space<vmem>>, vector<1x16xf32>,
      %get3A_293 = vector.shape_cast %get3A_292 : vector<1x16xf32> to vector<16xf32>
      %add3A_294 = arith.addf %get3A_289, %get3A_293 : vector<16xf32>
      %swap3A_295 = arith.index_cast %add3A_21 : i32 to index
      %swap3A_296 = arith.constant 304 : index
      %swap3A_297 = tpu.vector_load %arg8[%swap3A_295, %swap3A_296] {strides = array<i32>} : memref<64x384xf32, #tpu.memory_space<vmem>>, vector<1x16xf32>,
      %swap3A_298 = vector.shape_cast %swap3A_297 : vector<1x16xf32> to vector<16xf32>
      %swap3A_299 = vector.shape_cast %add3A_294 : vector<16xf32> to vector<1x16xf32>
      tpu.vector_store %arg8[%swap3A_295, %swap3A_296], %swap3A_299 {strides = array<i32>} : memref<64x384xf32, #tpu.memory_space<vmem>>, vector<1x16xf32>,
      %get3A_300 = arith.index_cast %add3A_21 : i32 to index
      %get3A_301 = arith.constant 320 : index
      %get3A_302 = tpu.vector_load %arg8[%get3A_300, %get3A_301] {strides = array<i32>} : memref<64x384xf32, #tpu.memory_space<vmem>>, vector<1x16xf32>,
      %get3A_303 = vector.shape_cast %get3A_302 : vector<1x16xf32> to vector<16xf32>
      %get3A_304 = arith.index_cast %add3A_21 : i32 to index
      %get3A_305 = arith.constant 320 : index
      %get3A_306 = tpu.vector_load %arg9[%get3A_304, %get3A_305] {strides = array<i32>} : memref<64x384xf32, #tpu.memory_space<vmem>>, vector<1x16xf32>,
      %get3A_307 = vector.shape_cast %get3A_306 : vector<1x16xf32> to vector<16xf32>
      %add3A_308 = arith.addf %get3A_303, %get3A_307 : vector<16xf32>
      %swap3A_309 = arith.index_cast %add3A_21 : i32 to index
      %swap3A_310 = arith.constant 320 : index
      %swap3A_311 = tpu.vector_load %arg8[%swap3A_309, %swap3A_310] {strides = array<i32>} : memref<64x384xf32, #tpu.memory_space<vmem>>, vector<1x16xf32>,
      %swap3A_312 = vector.shape_cast %swap3A_311 : vector<1x16xf32> to vector<16xf32>
      %swap3A_313 = vector.shape_cast %add3A_308 : vector<16xf32> to vector<1x16xf32>
      tpu.vector_store %arg8[%swap3A_309, %swap3A_310], %swap3A_313 {strides = array<i32>} : memref<64x384xf32, #tpu.memory_space<vmem>>, vector<1x16xf32>,
      %get3A_314 = arith.index_cast %add3A_21 : i32 to index
      %get3A_315 = arith.constant 336 : index
      %get3A_316 = tpu.vector_load %arg8[%get3A_314, %get3A_315] {strides = array<i32>} : memref<64x384xf32, #tpu.memory_space<vmem>>, vector<1x16xf32>,
      %get3A_317 = vector.shape_cast %get3A_316 : vector<1x16xf32> to vector<16xf32>
      %get3A_318 = arith.index_cast %add3A_21 : i32 to index
      %get3A_319 = arith.constant 336 : index
      %get3A_320 = tpu.vector_load %arg9[%get3A_318, %get3A_319] {strides = array<i32>} : memref<64x384xf32, #tpu.memory_space<vmem>>, vector<1x16xf32>,
      %get3A_321 = vector.shape_cast %get3A_320 : vector<1x16xf32> to vector<16xf32>
      %add3A_322 = arith.addf %get3A_317, %get3A_321 : vector<16xf32>
      %swap3A_323 = arith.index_cast %add3A_21 : i32 to index
      %swap3A_324 = arith.constant 336 : index
      %swap3A_325 = tpu.vector_load %arg8[%swap3A_323, %swap3A_324] {strides = array<i32>} : memref<64x384xf32, #tpu.memory_space<vmem>>, vector<1x16xf32>,
      %swap3A_326 = vector.shape_cast %swap3A_325 : vector<1x16xf32> to vector<16xf32>
      %swap3A_327 = vector.shape_cast %add3A_322 : vector<16xf32> to vector<1x16xf32>
      tpu.vector_store %arg8[%swap3A_323, %swap3A_324], %swap3A_327 {strides = array<i32>} : memref<64x384xf32, #tpu.memory_space<vmem>>, vector<1x16xf32>,
      %get3A_328 = arith.index_cast %add3A_21 : i32 to index
      %get3A_329 = arith.constant 352 : index
      %get3A_330 = tpu.vector_load %arg8[%get3A_328, %get3A_329] {strides = array<i32>} : memref<64x384xf32, #tpu.memory_space<vmem>>, vector<1x16xf32>,
      %get3A_331 = vector.shape_cast %get3A_330 : vector<1x16xf32> to vector<16xf32>
      %get3A_332 = arith.index_cast %add3A_21 : i32 to index
      %get3A_333 = arith.constant 352 : index
      %get3A_334 = tpu.vector_load %arg9[%get3A_332, %get3A_333] {strides = array<i32>} : memref<64x384xf32, #tpu.memory_space<vmem>>, vector<1x16xf32>,
      %get3A_335 = vector.shape_cast %get3A_334 : vector<1x16xf32> to vector<16xf32>
      %add3A_336 = arith.addf %get3A_331, %get3A_335 : vector<16xf32>
      %swap3A_337 = arith.index_cast %add3A_21 : i32 to index
      %swap3A_338 = arith.constant 352 : index
      %swap3A_339 = tpu.vector_load %arg8[%swap3A_337, %swap3A_338] {strides = array<i32>} : memref<64x384xf32, #tpu.memory_space<vmem>>, vector<1x16xf32>,
      %swap3A_340 = vector.shape_cast %swap3A_339 : vector<1x16xf32> to vector<16xf32>
      %swap3A_341 = vector.shape_cast %add3A_336 : vector<16xf32> to vector<1x16xf32>
      tpu.vector_store %arg8[%swap3A_337, %swap3A_338], %swap3A_341 {strides = array<i32>} : memref<64x384xf32, #tpu.memory_space<vmem>>, vector<1x16xf32>,
      %get3A_342 = arith.index_cast %add3A_21 : i32 to index
      %get3A_343 = arith.constant 368 : index
      %get3A_344 = tpu.vector_load %arg8[%get3A_342, %get3A_343] {strides = array<i32>} : memref<64x384xf32, #tpu.memory_space<vmem>>, vector<1x16xf32>,
      %get3A_345 = vector.shape_cast %get3A_344 : vector<1x16xf32> to vector<16xf32>
      %get3A_346 = arith.index_cast %add3A_21 : i32 to index
      %get3A_347 = arith.constant 368 : index
      %get3A_348 = tpu.vector_load %arg9[%get3A_346, %get3A_347] {strides = array<i32>} : memref<64x384xf32, #tpu.memory_space<vmem>>, vector<1x16xf32>,
      %get3A_349 = vector.shape_cast %get3A_348 : vector<1x16xf32> to vector<16xf32>
      %add3A_350 = arith.addf %get3A_345, %get3A_349 : vector<16xf32>
      %swap3A_351 = arith.index_cast %add3A_21 : i32 to index
      %swap3A_352 = arith.constant 368 : index
      %swap3A_353 = tpu.vector_load %arg8[%swap3A_351, %swap3A_352] {strides = array<i32>} : memref<64x384xf32, #tpu.memory_space<vmem>>, vector<1x16xf32>,
      %swap3A_354 = vector.shape_cast %swap3A_353 : vector<1x16xf32> to vector<16xf32>
      %swap3A_355 = vector.shape_cast %add3A_350 : vector<16xf32> to vector<1x16xf32>
      tpu.vector_store %arg8[%swap3A_351, %swap3A_352], %swap3A_355 {strides = array<i32>} : memref<64x384xf32, #tpu.memory_space<vmem>>, vector<1x16xf32>,
    }
    %scan3A_16 = arith.constant 64 : i32
    "tpu.region"() ({
      %run_scoped3A = tpu.sem_alloc : memref<!tpu.dma_semaphore, #tpu.memory_space<semaphore_mem>>
      %dma_start3A_17 = arith.constant 0 : i32
      %dma_start3A_18 = tpu.memref_slice %arg5[%multiple_of3A, %dma_start3A_17] : memref<2048x384xf32, #tpu.memory_space<hbm>> -> memref<64x384xf32, #tpu.memory_space<hbm>>
      %dma_start3A_19 = arith.constant 0 : i32
      %dma_start3A_20 = tpu.memref_slice %arg5[%multiple_of3A, %dma_start3A_19] : memref<2048x384xf32, #tpu.memory_space<hbm>> -> memref<64x384xf32, #tpu.memory_space<hbm>>
      tpu.enqueue_dma source(%arg8 : memref<64x384xf32, #tpu.memory_space<vmem>>) target(%dma_start3A_20 : memref<64x384xf32, #tpu.memory_space<hbm>>) target_semaphore(%run_scoped3A : memref<!tpu.dma_semaphore, #tpu.memory_space<semaphore_mem>>)
      %dma_wait3A_21 = arith.constant 0 : i32
      %dma_wait3A_22 = tpu.memref_slice %arg5[%multiple_of3A, %dma_wait3A_21] : memref<2048x384xf32, #tpu.memory_space<hbm>> -> memref<64x384xf32, #tpu.memory_space<hbm>>
      %dma_wait3A_23 = arith.constant 0 : i32
      %dma_wait3A_24 = tpu.memref_slice %arg5[%multiple_of3A, %dma_wait3A_23] : memref<2048x384xf32, #tpu.memory_space<hbm>> -> memref<64x384xf32, #tpu.memory_space<hbm>>
      tpu.wait_dma2 semaphore(%run_scoped3A : memref<!tpu.dma_semaphore, #tpu.memory_space<semaphore_mem>>) src(%arg8 : memref<64x384xf32, #tpu.memory_space<vmem>>) dst(%dma_wait3A_24 : memref<64x384xf32, #tpu.memory_space<hbm>>)
      tpu.yield
    }) : () -> ()
    return
  }
}

module attributes {stable_mosaic.version = 14 : i64} {
  func.func @_plan_body(%arg0: memref<2048x384xf32, #tpu.memory_space<vmem>>, %arg1: memref<8x384xf32, #tpu.memory_space<vmem>>, %arg2: memref<2048x2xi32, #tpu.memory_space<vmem>>, %arg3: memref<2048x2xf32, #tpu.memory_space<vmem>>, %arg4: memref<2048x1xi32, #tpu.memory_space<vmem>>, %arg5: memref<2048x1xi32, #tpu.memory_space<vmem>>, %arg6: memref<32x1xi32, #tpu.memory_space<vmem>>) attributes {dimension_semantics = [], scalar_prefetch = 0 : i64, scratch_operands = 0 : i64, tpu.core_type = #tpu.core_type<tc>} {
    %get3A = arith.constant 0 : index
    %get3A_0 = arith.constant 0 : index
    %get3A_1 = vector.load %arg0[%get3A, %get3A_0] : memref<2048x384xf32, #tpu.memory_space<vmem>>, vector<2048x384xf32>
    %mul3A = arith.mulf %get3A_1, %get3A_1 : vector<2048x384xf32>
    %reduce_sum3A = arith.constant dense<0.000000e+00> : vector<2048xf32>
    %reduce_sum3A_2 = vector.multi_reduction <add>, %mul3A, %reduce_sum3A [1] : vector<2048x384xf32> to vector<2048xf32>
    %broadcast_in_dim3A = vector.shape_cast %reduce_sum3A_2 : vector<2048xf32> to vector<2048x1xf32>
    %sqrt3A = math.sqrt %broadcast_in_dim3A : vector<2048x1xf32>
    %add3A = arith.constant 9.99999997E-7 : f32
    %add3A_3 = vector.broadcast %add3A : f32 to vector<2048x1xf32>
    %add3A_4 = arith.addf %sqrt3A, %add3A_3 : vector<2048x1xf32>
    %div3A = vector.broadcast %add3A_4 : vector<2048x1xf32> to vector<2048x384xf32>
    %div3A_5 = arith.divf %get3A_1, %div3A : vector<2048x384xf32>
    %get3A_6 = arith.constant 0 : index
    %get3A_7 = arith.constant 0 : index
    %get3A_8 = vector.load %arg1[%get3A_6, %get3A_7] : memref<8x384xf32, #tpu.memory_space<vmem>>, vector<8x384xf32>
    %mul3A_9 = arith.mulf %get3A_8, %get3A_8 : vector<8x384xf32>
    %reduce_sum3A_10 = arith.constant dense<0.000000e+00> : vector<8xf32>
    %reduce_sum3A_11 = vector.multi_reduction <add>, %mul3A_9, %reduce_sum3A_10 [1] : vector<8x384xf32> to vector<8xf32>
    %broadcast_in_dim3A_12 = vector.shape_cast %reduce_sum3A_11 : vector<8xf32> to vector<8x1xf32>
    %sqrt3A_13 = math.sqrt %broadcast_in_dim3A_12 : vector<8x1xf32>
    %add3A_14 = arith.constant 9.99999997E-7 : f32
    %add3A_15 = vector.broadcast %add3A_14 : f32 to vector<8x1xf32>
    %add3A_16 = arith.addf %sqrt3A_13, %add3A_15 : vector<8x1xf32>
    %div3A_17 = vector.broadcast %add3A_16 : vector<8x1xf32> to vector<8x384xf32>
    %div3A_18 = arith.divf %get3A_8, %div3A_17 : vector<8x384xf32>
    %transpose3A = tpu.transpose %div3A_18, [1, 0] : vector<8x384xf32> -> vector<384x8xf32>
    %dot_general3A = arith.constant dense<0.000000e+00> : vector<2048x8xf32>
    %dot_general3A_19 = tpu.matmul %div3A_5, %transpose3A, %dot_general3A {dimension_numbers = #tpu.dot_dimension_numbers<[1], [0], [0], [1], [0, 0, 1, 1], [], []>, transpose_lhs_hint = false} : vector<2048x384xf32>, vector<384x8xf32>, vector<2048x8xf32> -> vector<2048x8xf32>
    %div3A_20 = arith.constant 7.000000e-02 : f32
    %div3A_21 = vector.broadcast %div3A_20 : f32 to vector<2048x8xf32>
    %div3A_22 = arith.divf %dot_general3A_19, %div3A_21 : vector<2048x8xf32>
    %iota3A = tpu.iota {dimensions = array<i32: 1>} : vector<2048x8xi32>
    %lt3A = arith.constant 6 : i32
    %lt3A_23 = vector.broadcast %lt3A : i32 to vector<2048x8xi32>
    %lt3A_24 = arith.cmpi slt, %iota3A, %lt3A_23 : vector<2048x8xi32>
    %jit3A = arith.constant -1.000000e+30 : f32
    %broadcast_in_dim3A_25 = vector.broadcast %jit3A : f32 to vector<2048x8xf32>
    %select_n3A = arith.select %lt3A_24, %div3A_22, %broadcast_in_dim3A_25 : vector<2048x8xi1>, vector<2048x8xf32>
    %reduce_max3A = arith.constant dense<0xFF800000> : vector<2048xf32>
    %reduce_max3A_26 = vector.multi_reduction <maximumf>, %select_n3A, %reduce_max3A [1] : vector<2048x8xf32> to vector<2048xf32>
    %broadcast_in_dim3A_27 = vector.shape_cast %reduce_max3A_26 : vector<2048xf32> to vector<2048x1xf32>
    %eq3A = vector.broadcast %broadcast_in_dim3A_27 : vector<2048x1xf32> to vector<2048x8xf32>
    %eq3A_28 = arith.cmpf oeq, %select_n3A, %eq3A : vector<2048x8xf32>
    %jit3A_29 = arith.constant 8 : i32
    %broadcast_in_dim3A_30 = vector.broadcast %jit3A_29 : i32 to vector<2048x8xi32>
    %select_n3A_31 = arith.select %eq3A_28, %iota3A, %broadcast_in_dim3A_30 : vector<2048x8xi1>, vector<2048x8xi32>
    %reduce_min3A = arith.constant dense<2147483647> : vector<2048xi32>
    %reduce_min3A_32 = vector.multi_reduction <minsi>, %select_n3A_31, %reduce_min3A [1] : vector<2048x8xi32> to vector<2048xi32>
    %broadcast_in_dim3A_33 = vector.shape_cast %reduce_min3A_32 : vector<2048xi32> to vector<2048x1xi32>
    %eq3A_34 = vector.broadcast %broadcast_in_dim3A_33 : vector<2048x1xi32> to vector<2048x8xi32>
    %eq3A_35 = arith.cmpi eq, %iota3A, %eq3A_34 : vector<2048x8xi32>
    %jit3A_36 = arith.constant -1.000000e+30 : f32
    %broadcast_in_dim3A_37 = vector.broadcast %jit3A_36 : f32 to vector<2048x8xf32>
    %select_n3A_38 = arith.select %eq3A_35, %broadcast_in_dim3A_37, %select_n3A : vector<2048x8xi1>, vector<2048x8xf32>
    %reduce_max3A_39 = arith.constant dense<0xFF800000> : vector<2048xf32>
    %reduce_max3A_40 = vector.multi_reduction <maximumf>, %select_n3A_38, %reduce_max3A_39 [1] : vector<2048x8xf32> to vector<2048xf32>
    %broadcast_in_dim3A_41 = vector.shape_cast %reduce_max3A_40 : vector<2048xf32> to vector<2048x1xf32>
    %eq3A_42 = vector.broadcast %broadcast_in_dim3A_41 : vector<2048x1xf32> to vector<2048x8xf32>
    %eq3A_43 = arith.cmpf oeq, %select_n3A_38, %eq3A_42 : vector<2048x8xf32>
    %jit3A_44 = arith.constant 8 : i32
    %broadcast_in_dim3A_45 = vector.broadcast %jit3A_44 : i32 to vector<2048x8xi32>
    %select_n3A_46 = arith.select %eq3A_43, %iota3A, %broadcast_in_dim3A_45 : vector<2048x8xi1>, vector<2048x8xi32>
    %reduce_min3A_47 = arith.constant dense<2147483647> : vector<2048xi32>
    %reduce_min3A_48 = vector.multi_reduction <minsi>, %select_n3A_46, %reduce_min3A_47 [1] : vector<2048x8xi32> to vector<2048xi32>
    %broadcast_in_dim3A_49 = vector.shape_cast %reduce_min3A_48 : vector<2048xi32> to vector<2048x1xi32>
    %sub3A = arith.subf %broadcast_in_dim3A_41, %broadcast_in_dim3A_27 : vector<2048x1xf32>
    %exp3A = math.exp %sub3A : vector<2048x1xf32>
    %add3A_50 = arith.constant 1.000000e+00 : f32
    %add3A_51 = vector.broadcast %add3A_50 : f32 to vector<2048x1xf32>
    %add3A_52 = arith.addf %add3A_51, %exp3A : vector<2048x1xf32>
    %div3A_53 = arith.constant 1.000000e+00 : f32
    %div3A_54 = vector.broadcast %div3A_53 : f32 to vector<2048x1xf32>
    %div3A_55 = arith.divf %div3A_54, %add3A_52 : vector<2048x1xf32>
    %sub3A_56 = arith.constant 1.000000e+00 : f32
    %sub3A_57 = vector.broadcast %sub3A_56 : f32 to vector<2048x1xf32>
    %sub3A_58 = arith.subf %sub3A_57, %div3A_55 : vector<2048x1xf32>
    %iota3A_59 = tpu.iota {dimensions = array<i32: 0>} : vector<2048x1xi32>
    %lt3A_60 = arith.constant 1576 : i32
    %lt3A_61 = vector.broadcast %lt3A_60 : i32 to vector<2048x1xi32>
    %lt3A_62 = arith.cmpi slt, %iota3A_59, %lt3A_61 : vector<2048x1xi32>
    %eq3A_63 = vector.broadcast %broadcast_in_dim3A_33 : vector<2048x1xi32> to vector<2048x8xi32>
    %eq3A_64 = arith.cmpi eq, %iota3A, %eq3A_63 : vector<2048x8xi32>
    %and3A = vector.broadcast %lt3A_62 : vector<2048x1xi1> to vector<2048x8xi1>
    %and3A_65 = arith.andi %eq3A_64, %and3A : vector<2048x8xi1>
    %convert_element_type3A = arith.extui %and3A_65 : vector<2048x8xi1> to vector<2048x8xi32>
    %eq3A_66 = vector.broadcast %broadcast_in_dim3A_49 : vector<2048x1xi32> to vector<2048x8xi32>
    %eq3A_67 = arith.cmpi eq, %iota3A, %eq3A_66 : vector<2048x8xi32>
    %and3A_68 = vector.broadcast %lt3A_62 : vector<2048x1xi1> to vector<2048x8xi1>
    %and3A_69 = arith.andi %eq3A_67, %and3A_68 : vector<2048x8xi1>
    %convert_element_type3A_70 = arith.extui %and3A_69 : vector<2048x8xi1> to vector<2048x8xi32>
    %add3A_71 = arith.addi %convert_element_type3A, %convert_element_type3A_70 : vector<2048x8xi32>
    %slice3A = vector.extract_strided_slice %add3A_71 {offsets = [0, 0], sizes = [2047, 8], strides = [1, 1]} : vector<2048x8xi32> to vector<2047x8xi32>
    %jit3A_72 = arith.constant 0 : i32
    %pad3A = vector.broadcast %jit3A_72 : i32 to vector<1x8xi32>
    %pad3A_73 = tpu.concatenate %pad3A, %slice3A in 0 : vector<1x8xi32>, vector<2047x8xi32> -> vector<2048x8xi32>
    %add3A_74 = arith.addi %add3A_71, %pad3A_73 : vector<2048x8xi32>
    %slice3A_75 = vector.extract_strided_slice %add3A_74 {offsets = [0, 0], sizes = [2046, 8], strides = [1, 1]} : vector<2048x8xi32> to vector<2046x8xi32>
    %jit3A_76 = arith.constant 0 : i32
    %pad3A_77 = vector.broadcast %jit3A_76 : i32 to vector<2x8xi32>
    %pad3A_78 = tpu.concatenate %pad3A_77, %slice3A_75 in 0 : vector<2x8xi32>, vector<2046x8xi32> -> vector<2048x8xi32>
    %add3A_79 = arith.addi %add3A_74, %pad3A_78 : vector<2048x8xi32>
    %slice3A_80 = vector.extract_strided_slice %add3A_79 {offsets = [0, 0], sizes = [2044, 8], strides = [1, 1]} : vector<2048x8xi32> to vector<2044x8xi32>
    %jit3A_81 = arith.constant 0 : i32
    %pad3A_82 = vector.broadcast %jit3A_81 : i32 to vector<4x8xi32>
    %pad3A_83 = tpu.concatenate %pad3A_82, %slice3A_80 in 0 : vector<4x8xi32>, vector<2044x8xi32> -> vector<2048x8xi32>
    %add3A_84 = arith.addi %add3A_79, %pad3A_83 : vector<2048x8xi32>
    %slice3A_85 = vector.extract_strided_slice %add3A_84 {offsets = [0, 0], sizes = [2040, 8], strides = [1, 1]} : vector<2048x8xi32> to vector<2040x8xi32>
    %jit3A_86 = arith.constant 0 : i32
    %pad3A_87 = vector.broadcast %jit3A_86 : i32 to vector<8x8xi32>
    %pad3A_88 = tpu.concatenate %pad3A_87, %slice3A_85 in 0 : vector<8x8xi32>, vector<2040x8xi32> -> vector<2048x8xi32>
    %add3A_89 = arith.addi %add3A_84, %pad3A_88 : vector<2048x8xi32>
    %slice3A_90 = vector.extract_strided_slice %add3A_89 {offsets = [0, 0], sizes = [2032, 8], strides = [1, 1]} : vector<2048x8xi32> to vector<2032x8xi32>
    %jit3A_91 = arith.constant 0 : i32
    %pad3A_92 = vector.broadcast %jit3A_91 : i32 to vector<16x8xi32>
    %pad3A_93 = tpu.concatenate %pad3A_92, %slice3A_90 in 0 : vector<16x8xi32>, vector<2032x8xi32> -> vector<2048x8xi32>
    %add3A_94 = arith.addi %add3A_89, %pad3A_93 : vector<2048x8xi32>
    %slice3A_95 = vector.extract_strided_slice %add3A_94 {offsets = [0, 0], sizes = [2016, 8], strides = [1, 1]} : vector<2048x8xi32> to vector<2016x8xi32>
    %jit3A_96 = arith.constant 0 : i32
    %pad3A_97 = vector.broadcast %jit3A_96 : i32 to vector<32x8xi32>
    %pad3A_98 = tpu.concatenate %pad3A_97, %slice3A_95 in 0 : vector<32x8xi32>, vector<2016x8xi32> -> vector<2048x8xi32>
    %add3A_99 = arith.addi %add3A_94, %pad3A_98 : vector<2048x8xi32>
    %slice3A_100 = vector.extract_strided_slice %add3A_99 {offsets = [0, 0], sizes = [1984, 8], strides = [1, 1]} : vector<2048x8xi32> to vector<1984x8xi32>
    %jit3A_101 = arith.constant 0 : i32
    %pad3A_102 = vector.broadcast %jit3A_101 : i32 to vector<64x8xi32>
    %pad3A_103 = tpu.concatenate %pad3A_102, %slice3A_100 in 0 : vector<64x8xi32>, vector<1984x8xi32> -> vector<2048x8xi32>
    %add3A_104 = arith.addi %add3A_99, %pad3A_103 : vector<2048x8xi32>
    %slice3A_105 = vector.extract_strided_slice %add3A_104 {offsets = [0, 0], sizes = [1920, 8], strides = [1, 1]} : vector<2048x8xi32> to vector<1920x8xi32>
    %jit3A_106 = arith.constant 0 : i32
    %pad3A_107 = vector.broadcast %jit3A_106 : i32 to vector<128x8xi32>
    %pad3A_108 = tpu.concatenate %pad3A_107, %slice3A_105 in 0 : vector<128x8xi32>, vector<1920x8xi32> -> vector<2048x8xi32>
    %add3A_109 = arith.addi %add3A_104, %pad3A_108 : vector<2048x8xi32>
    %slice3A_110 = vector.extract_strided_slice %add3A_109 {offsets = [0, 0], sizes = [1792, 8], strides = [1, 1]} : vector<2048x8xi32> to vector<1792x8xi32>
    %jit3A_111 = arith.constant 0 : i32
    %pad3A_112 = vector.broadcast %jit3A_111 : i32 to vector<256x8xi32>
    %pad3A_113 = tpu.concatenate %pad3A_112, %slice3A_110 in 0 : vector<256x8xi32>, vector<1792x8xi32> -> vector<2048x8xi32>
    %add3A_114 = arith.addi %add3A_109, %pad3A_113 : vector<2048x8xi32>
    %slice3A_115 = vector.extract_strided_slice %add3A_114 {offsets = [0, 0], sizes = [1536, 8], strides = [1, 1]} : vector<2048x8xi32> to vector<1536x8xi32>
    %jit3A_116 = arith.constant 0 : i32
    %pad3A_117 = vector.broadcast %jit3A_116 : i32 to vector<512x8xi32>
    %pad3A_118 = tpu.concatenate %pad3A_117, %slice3A_115 in 0 : vector<512x8xi32>, vector<1536x8xi32> -> vector<2048x8xi32>
    %add3A_119 = arith.addi %add3A_114, %pad3A_118 : vector<2048x8xi32>
    %slice3A_120 = vector.extract_strided_slice %add3A_119 {offsets = [0, 0], sizes = [1024, 8], strides = [1, 1]} : vector<2048x8xi32> to vector<1024x8xi32>
    %jit3A_121 = arith.constant 0 : i32
    %pad3A_122 = vector.broadcast %jit3A_121 : i32 to vector<1024x8xi32>
    %pad3A_123 = tpu.concatenate %pad3A_122, %slice3A_120 in 0 : vector<1024x8xi32>, vector<1024x8xi32> -> vector<2048x8xi32>
    %add3A_124 = arith.addi %add3A_119, %pad3A_123 : vector<2048x8xi32>
    %sub3A_125 = arith.subi %add3A_124, %add3A_71 : vector<2048x8xi32>
    %reduce_sum3A_126 = arith.constant dense<0> : vector<8xi32>
    %reduce_sum3A_127 = vector.multi_reduction <add>, %add3A_71, %reduce_sum3A_126 [0] : vector<2048x8xi32> to vector<8xi32>
    %broadcast_in_dim3A_128 = vector.shape_cast %reduce_sum3A_127 : vector<8xi32> to vector<1x8xi32>
    %add3A_129 = arith.constant 127 : i32
    %add3A_130 = vector.broadcast %add3A_129 : i32 to vector<1x8xi32>
    %add3A_131 = arith.addi %broadcast_in_dim3A_128, %add3A_130 : vector<1x8xi32>
    %jit3A_132 = arith.constant 128 : i32
    %div3A_133 = vector.broadcast %jit3A_132 : i32 to vector<1x8xi32>
    %div3A_134 = arith.divsi %add3A_131, %div3A_133 : vector<1x8xi32>
    %sign3A = arith.constant 0 : i32
    %sign3A_135 = vector.broadcast %sign3A : i32 to vector<1x8xi32>
    %sign3A_136 = arith.cmpi sgt, %add3A_131, %sign3A_135 : vector<1x8xi32>
    %sign3A_137 = arith.extui %sign3A_136 : vector<1x8xi1> to vector<1x8xi32>
    %sign3A_138 = arith.constant 0 : i32
    %sign3A_139 = vector.broadcast %sign3A_138 : i32 to vector<1x8xi32>
    %sign3A_140 = arith.cmpi slt, %add3A_131, %sign3A_139 : vector<1x8xi32>
    %sign3A_141 = arith.extui %sign3A_140 : vector<1x8xi1> to vector<1x8xi32>
    %sign3A_142 = arith.subi %sign3A_137, %sign3A_141 : vector<1x8xi32>
    %sign3A_143 = arith.constant 0 : i32
    %sign3A_144 = arith.cmpi sgt, %jit3A_132, %sign3A_143 : i32
    %sign3A_145 = arith.extui %sign3A_144 : i1 to i32
    %sign3A_146 = arith.constant 0 : i32
    %sign3A_147 = arith.cmpi slt, %jit3A_132, %sign3A_146 : i32
    %sign3A_148 = arith.extui %sign3A_147 : i1 to i32
    %sign3A_149 = arith.subi %sign3A_145, %sign3A_148 : i32
    %ne3A = vector.broadcast %sign3A_149 : i32 to vector<1x8xi32>
    %ne3A_150 = arith.cmpi ne, %sign3A_142, %ne3A : vector<1x8xi32>
    %rem3A = vector.broadcast %jit3A_132 : i32 to vector<1x8xi32>
    %rem3A_151 = arith.remsi %add3A_131, %rem3A : vector<1x8xi32>
    %ne3A_152 = arith.constant 0 : i32
    %ne3A_153 = vector.broadcast %ne3A_152 : i32 to vector<1x8xi32>
    %ne3A_154 = arith.cmpi ne, %rem3A_151, %ne3A_153 : vector<1x8xi32>
    %and3A_155 = arith.andi %ne3A_150, %ne3A_154 : vector<1x8xi1>
    %sub3A_156 = arith.constant 1 : i32
    %sub3A_157 = vector.broadcast %sub3A_156 : i32 to vector<1x8xi32>
    %sub3A_158 = arith.subi %div3A_134, %sub3A_157 : vector<1x8xi32>
    %select_n3A_159 = arith.select %and3A_155, %sub3A_158, %div3A_134 : vector<1x8xi1>, vector<1x8xi32>
    %slice3A_160 = vector.extract_strided_slice %select_n3A_159 {offsets = [0, 0], sizes = [1, 7], strides = [1, 1]} : vector<1x8xi32> to vector<1x7xi32>
    %jit3A_161 = arith.constant 0 : i32
    %pad3A_162 = vector.broadcast %jit3A_161 : i32 to vector<1x1xi32>
    %pad3A_163 = tpu.concatenate %pad3A_162, %slice3A_160 in 1 : vector<1x1xi32>, vector<1x7xi32> -> vector<1x8xi32>
    %add3A_164 = arith.addi %select_n3A_159, %pad3A_163 : vector<1x8xi32>
    %slice3A_165 = vector.extract_strided_slice %add3A_164 {offsets = [0, 0], sizes = [1, 6], strides = [1, 1]} : vector<1x8xi32> to vector<1x6xi32>
    %jit3A_166 = arith.constant 0 : i32
    %pad3A_167 = vector.broadcast %jit3A_166 : i32 to vector<1x2xi32>
    %pad3A_168 = tpu.concatenate %pad3A_167, %slice3A_165 in 1 : vector<1x2xi32>, vector<1x6xi32> -> vector<1x8xi32>
    %add3A_169 = arith.addi %add3A_164, %pad3A_168 : vector<1x8xi32>
    %slice3A_170 = vector.extract_strided_slice %add3A_169 {offsets = [0, 0], sizes = [1, 4], strides = [1, 1]} : vector<1x8xi32> to vector<1x4xi32>
    %jit3A_171 = arith.constant 0 : i32
    %pad3A_172 = vector.broadcast %jit3A_171 : i32 to vector<1x4xi32>
    %pad3A_173 = tpu.concatenate %pad3A_172, %slice3A_170 in 1 : vector<1x4xi32>, vector<1x4xi32> -> vector<1x8xi32>
    %add3A_174 = arith.addi %add3A_169, %pad3A_173 : vector<1x8xi32>
    %sub3A_175 = arith.subi %add3A_174, %select_n3A_159 : vector<1x8xi32>
    %mul3A_176 = arith.constant 128 : i32
    %mul3A_177 = vector.broadcast %mul3A_176 : i32 to vector<1x8xi32>
    %mul3A_178 = arith.muli %sub3A_175, %mul3A_177 : vector<1x8xi32>
    %mul3A_179 = arith.muli %convert_element_type3A, %sub3A_125 : vector<2048x8xi32>
    %reduce_sum3A_180 = arith.constant dense<0> : vector<2048xi32>
    %reduce_sum3A_181 = vector.multi_reduction <add>, %mul3A_179, %reduce_sum3A_180 [1] : vector<2048x8xi32> to vector<2048xi32>
    %broadcast_in_dim3A_182 = vector.shape_cast %reduce_sum3A_181 : vector<2048xi32> to vector<2048x1xi32>
    %convert_element_type3A_183 = arith.sitofp %convert_element_type3A : vector<2048x8xi32> to vector<2048x8xf32>
    %convert_element_type3A_184 = arith.sitofp %mul3A_178 : vector<1x8xi32> to vector<1x8xf32>
    %mul3A_185 = vector.broadcast %convert_element_type3A_184 : vector<1x8xf32> to vector<2048x8xf32>
    %mul3A_186 = arith.mulf %convert_element_type3A_183, %mul3A_185 : vector<2048x8xf32>
    %reduce_sum3A_187 = arith.constant dense<0.000000e+00> : vector<2048xf32>
    %reduce_sum3A_188 = vector.multi_reduction <add>, %mul3A_186, %reduce_sum3A_187 [1] : vector<2048x8xf32> to vector<2048xf32>
    %broadcast_in_dim3A_189 = vector.shape_cast %reduce_sum3A_188 : vector<2048xf32> to vector<2048x1xf32>
    %convert_element_type3A_190 = arith.fptosi %broadcast_in_dim3A_189 : vector<2048x1xf32> to vector<2048x1xi32>
    %add3A_191 = arith.addi %convert_element_type3A_190, %broadcast_in_dim3A_182 : vector<2048x1xi32>
    %jit3A_192 = arith.constant 4095 : i32
    %broadcast_in_dim3A_193 = vector.broadcast %jit3A_192 : i32 to vector<2048x1xi32>
    %select_n3A_194 = arith.select %lt3A_62, %add3A_191, %broadcast_in_dim3A_193 : vector<2048x1xi1>, vector<2048x1xi32>
    %mul3A_195 = arith.muli %convert_element_type3A_70, %sub3A_125 : vector<2048x8xi32>
    %reduce_sum3A_196 = arith.constant dense<0> : vector<2048xi32>
    %reduce_sum3A_197 = vector.multi_reduction <add>, %mul3A_195, %reduce_sum3A_196 [1] : vector<2048x8xi32> to vector<2048xi32>
    %broadcast_in_dim3A_198 = vector.shape_cast %reduce_sum3A_197 : vector<2048xi32> to vector<2048x1xi32>
    %convert_element_type3A_199 = arith.sitofp %convert_element_type3A_70 : vector<2048x8xi32> to vector<2048x8xf32>
    %convert_element_type3A_200 = arith.sitofp %mul3A_178 : vector<1x8xi32> to vector<1x8xf32>
    %mul3A_201 = vector.broadcast %convert_element_type3A_200 : vector<1x8xf32> to vector<2048x8xf32>
    %mul3A_202 = arith.mulf %convert_element_type3A_199, %mul3A_201 : vector<2048x8xf32>
    %reduce_sum3A_203 = arith.constant dense<0.000000e+00> : vector<2048xf32>
    %reduce_sum3A_204 = vector.multi_reduction <add>, %mul3A_202, %reduce_sum3A_203 [1] : vector<2048x8xf32> to vector<2048xf32>
    %broadcast_in_dim3A_205 = vector.shape_cast %reduce_sum3A_204 : vector<2048xf32> to vector<2048x1xf32>
    %convert_element_type3A_206 = arith.fptosi %broadcast_in_dim3A_205 : vector<2048x1xf32> to vector<2048x1xi32>
    %add3A_207 = arith.addi %convert_element_type3A_206, %broadcast_in_dim3A_198 : vector<2048x1xi32>
    %jit3A_208 = arith.constant 4095 : i32
    %broadcast_in_dim3A_209 = vector.broadcast %jit3A_208 : i32 to vector<2048x1xi32>
    %select_n3A_210 = arith.select %lt3A_62, %add3A_207, %broadcast_in_dim3A_209 : vector<2048x1xi1>, vector<2048x1xi32>
    %concatenate3A = tpu.concatenate %select_n3A_194, %select_n3A_210 in 1 : vector<2048x1xi32>, vector<2048x1xi32> -> vector<2048x2xi32>
    %swap3A = arith.constant 0 : index
    %swap3A_211 = arith.constant 0 : index
    %swap3A_212 = vector.load %arg2[%swap3A, %swap3A_211] : memref<2048x2xi32, #tpu.memory_space<vmem>>, vector<2048x2xi32>
    tpu.vector_store %arg2[%swap3A, %swap3A_211], %concatenate3A {strides = array<i32>} : memref<2048x2xi32, #tpu.memory_space<vmem>>, vector<2048x2xi32>,
    %convert_element_type3A_213 = arith.extui %lt3A_62 : vector<2048x1xi1> to vector<2048x1xi32>
    %convert_element_type3A_214 = arith.sitofp %convert_element_type3A_213 : vector<2048x1xi32> to vector<2048x1xf32>
    %mul3A_215 = arith.mulf %div3A_55, %convert_element_type3A_214 : vector<2048x1xf32>
    %mul3A_216 = arith.mulf %sub3A_58, %convert_element_type3A_214 : vector<2048x1xf32>
    %concatenate3A_217 = tpu.concatenate %mul3A_215, %mul3A_216 in 1 : vector<2048x1xf32>, vector<2048x1xf32> -> vector<2048x2xf32>
    %swap3A_218 = arith.constant 0 : index
    %swap3A_219 = arith.constant 0 : index
    %swap3A_220 = vector.load %arg3[%swap3A_218, %swap3A_219] : memref<2048x2xf32, #tpu.memory_space<vmem>>, vector<2048x2xf32>
    tpu.vector_store %arg3[%swap3A_218, %swap3A_219], %concatenate3A_217 {strides = array<i32>} : memref<2048x2xf32, #tpu.memory_space<vmem>>, vector<2048x2xf32>,
    %jit3A_221 = arith.constant 0 : i32
    %broadcast_in_dim3A_222 = vector.broadcast %jit3A_221 : i32 to vector<2048x1xi32>
    %select_n3A_223 = arith.select %lt3A_62, %select_n3A_194, %broadcast_in_dim3A_222 : vector<2048x1xi1>, vector<2048x1xi32>
    %swap3A_224 = arith.constant 0 : index
    %swap3A_225 = arith.constant 0 : index
    %swap3A_226 = vector.load %arg4[%swap3A_224, %swap3A_225] : memref<2048x1xi32, #tpu.memory_space<vmem>>, vector<2048x1xi32>
    tpu.vector_store %arg4[%swap3A_224, %swap3A_225], %select_n3A_223 {strides = array<i32>} : memref<2048x1xi32, #tpu.memory_space<vmem>>, vector<2048x1xi32>,
    %jit3A_227 = arith.constant 0 : i32
    %broadcast_in_dim3A_228 = vector.broadcast %jit3A_227 : i32 to vector<2048x1xi32>
    %select_n3A_229 = arith.select %lt3A_62, %select_n3A_210, %broadcast_in_dim3A_228 : vector<2048x1xi1>, vector<2048x1xi32>
    %swap3A_230 = arith.constant 0 : index
    %swap3A_231 = arith.constant 0 : index
    %swap3A_232 = vector.load %arg5[%swap3A_230, %swap3A_231] : memref<2048x1xi32, #tpu.memory_space<vmem>>, vector<2048x1xi32>
    tpu.vector_store %arg5[%swap3A_230, %swap3A_231], %select_n3A_229 {strides = array<i32>} : memref<2048x1xi32, #tpu.memory_space<vmem>>, vector<2048x1xi32>,
    %iota3A_233 = tpu.iota {dimensions = array<i32: 0>} : vector<32x8xi32>
    %broadcast_in_dim3A_234 = vector.shape_cast %add3A_174 : vector<1x8xi32> to vector<1x8xi32>
    %broadcast_in_dim3A_235 = vector.broadcast %broadcast_in_dim3A_234 : vector<1x8xi32> to vector<32x8xi32>
    %le3A = arith.cmpi sle, %broadcast_in_dim3A_235, %iota3A_233 : vector<32x8xi32>
    %convert_element_type3A_236 = arith.extui %le3A : vector<32x8xi1> to vector<32x8xi32>
    %reduce_sum3A_237 = arith.constant dense<0> : vector<32xi32>
    %reduce_sum3A_238 = vector.multi_reduction <add>, %convert_element_type3A_236, %reduce_sum3A_237 [1] : vector<32x8xi32> to vector<32xi32>
    %broadcast_in_dim3A_239 = vector.shape_cast %reduce_sum3A_238 : vector<32xi32> to vector<32x1xi32>
    %jit3A_240 = arith.constant 0 : i32
    %jit3A_241 = arith.constant 5 : i32
    %max3A = vector.broadcast %jit3A_240 : i32 to vector<32x1xi32>
    %max3A_242 = arith.maxsi %max3A, %broadcast_in_dim3A_239 : vector<32x1xi32>
    %min3A = vector.broadcast %jit3A_241 : i32 to vector<32x1xi32>
    %min3A_243 = arith.minsi %min3A, %max3A_242 : vector<32x1xi32>
    %swap3A_244 = arith.constant 0 : index
    %swap3A_245 = arith.constant 0 : index
    %swap3A_246 = vector.load %arg6[%swap3A_244, %swap3A_245] : memref<32x1xi32, #tpu.memory_space<vmem>>, vector<32x1xi32>
    tpu.vector_store %arg6[%swap3A_244, %swap3A_245], %min3A_243 {strides = array<i32>} : memref<32x1xi32, #tpu.memory_space<vmem>>, vector<32x1xi32>,
    return
  }
}

module attributes {stable_mosaic.version = 14 : i64} {
  func.func @_invert_body(%arg0: i32, %arg1: memref<1x4096xi32, #tpu.memory_space<vmem>>, %arg2: memref<4096x1xf32, #tpu.memory_space<vmem>>, %arg3: memref<256x1xi32, #tpu.memory_space<vmem>>, %arg4: memref<256x1xf32, #tpu.memory_space<vmem>>) attributes {dimension_semantics = [#tpu.dimension_semantics<arbitrary>], iteration_bounds = array<i64: 16>, scalar_prefetch = 0 : i64, scratch_operands = 0 : i64, tpu.core_type = #tpu.core_type<tc>, window_params = [{pipeline_mode = #tpu.pipeline_mode<synchronous>, transform_indices = @transform_0, window_bounds = array<i64: 1, 4096>}, {pipeline_mode = #tpu.pipeline_mode<synchronous>, transform_indices = @transform_1, window_bounds = array<i64: 4096, 1>}, {transform_indices = @transform_2, window_bounds = array<i64: 256, 1>}, {transform_indices = @transform_3, window_bounds = array<i64: 256, 1>}]} {
    %mul3A = arith.constant 256 : i32
    %mul3A_0 = arith.muli %arg0, %mul3A : i32
    %iota3A = tpu.iota {dimensions = array<i32: 0>} : vector<256x1xi32>
    %add3A = vector.broadcast %mul3A_0 : i32 to vector<256x1xi32>
    %add3A_1 = arith.addi %add3A, %iota3A : vector<256x1xi32>
    %get3A = arith.constant 0 : index
    %get3A_2 = arith.constant 0 : index
    %get3A_3 = vector.load %arg1[%get3A, %get3A_2] : memref<1x4096xi32, #tpu.memory_space<vmem>>, vector<1x4096xi32>
    %eq3A = vector.broadcast %get3A_3 : vector<1x4096xi32> to vector<256x4096xi32>
    %eq3A_4 = vector.broadcast %add3A_1 : vector<256x1xi32> to vector<256x4096xi32>
    %eq3A_5 = arith.cmpi eq, %eq3A, %eq3A_4 : vector<256x4096xi32>
    %convert_element_type3A = arith.extui %eq3A_5 : vector<256x4096xi1> to vector<256x4096xi32>
    %convert_element_type3A_6 = arith.sitofp %convert_element_type3A : vector<256x4096xi32> to vector<256x4096xf32>
    %iota3A_7 = tpu.iota {dimensions = array<i32: 0>} : vector<4096x1xi32>
    %shift_right_arithmetic3A = arith.constant 1 : i32
    %shift_right_arithmetic3A_8 = vector.broadcast %shift_right_arithmetic3A : i32 to vector<4096x1xi32>
    %shift_right_arithmetic3A_9 = arith.shrsi %iota3A_7, %shift_right_arithmetic3A_8 : vector<4096x1xi32>
    %convert_element_type3A_10 = arith.sitofp %shift_right_arithmetic3A_9 : vector<4096x1xi32> to vector<4096x1xf32>
    %get3A_11 = arith.constant 0 : index
    %get3A_12 = arith.constant 0 : index
    %get3A_13 = vector.load %arg2[%get3A_11, %get3A_12] : memref<4096x1xf32, #tpu.memory_space<vmem>>, vector<4096x1xf32>
    %concatenate3A = tpu.concatenate %convert_element_type3A_10, %get3A_13 in 1 : vector<4096x1xf32>, vector<4096x1xf32> -> vector<4096x2xf32>
    %dot_general3A = arith.constant dense<0.000000e+00> : vector<256x2xf32>
    %dot_general3A_14 = tpu.matmul %convert_element_type3A_6, %concatenate3A, %dot_general3A {dimension_numbers = #tpu.dot_dimension_numbers<[1], [0], [0], [1], [0, 0, 1, 1], [], []>, precision = #tpu.contract_precision<fp32>, transpose_lhs_hint = false} : vector<256x4096xf32>, vector<4096x2xf32>, vector<256x2xf32> -> vector<256x2xf32>
    %slice3A = vector.extract_strided_slice %dot_general3A_14 {offsets = [0, 0], sizes = [256, 1], strides = [1, 1]} : vector<256x2xf32> to vector<256x1xf32>
    %jit3A = arith.constant 0 : i32
    %jit3A_15 = arith.constant 2047 : i32
    %convert_element_type3A_16 = arith.sitofp %jit3A : i32 to f32
    %max3A = vector.broadcast %convert_element_type3A_16 : f32 to vector<256x1xf32>
    %max3A_17 = arith.maximumf %max3A, %slice3A : vector<256x1xf32>
    %convert_element_type3A_18 = arith.sitofp %jit3A_15 : i32 to f32
    %min3A = vector.broadcast %convert_element_type3A_18 : f32 to vector<256x1xf32>
    %min3A_19 = arith.minimumf %min3A, %max3A_17 : vector<256x1xf32>
    %convert_element_type3A_20 = arith.fptosi %min3A_19 : vector<256x1xf32> to vector<256x1xi32>
    %swap3A = arith.constant 0 : index
    %swap3A_21 = arith.constant 0 : index
    %swap3A_22 = vector.load %arg3[%swap3A, %swap3A_21] : memref<256x1xi32, #tpu.memory_space<vmem>>, vector<256x1xi32>
    tpu.vector_store %arg3[%swap3A, %swap3A_21], %convert_element_type3A_20 {strides = array<i32>} : memref<256x1xi32, #tpu.memory_space<vmem>>, vector<256x1xi32>,
    %slice3A_23 = vector.extract_strided_slice %dot_general3A_14 {offsets = [0, 1], sizes = [256, 1], strides = [1, 1]} : vector<256x2xf32> to vector<256x1xf32>
    %swap3A_24 = arith.constant 0 : index
    %swap3A_25 = arith.constant 0 : index
    %swap3A_26 = vector.load %arg4[%swap3A_24, %swap3A_25] : memref<256x1xf32, #tpu.memory_space<vmem>>, vector<256x1xf32>
    tpu.vector_store %arg4[%swap3A_24, %swap3A_25], %slice3A_23 {strides = array<i32>} : memref<256x1xf32, #tpu.memory_space<vmem>>, vector<256x1xf32>,
    return
  }
  func.func @transform_0(%arg0: i32) -> (i32, i32) {
    %c0_i32 = arith.constant 0 : i32
    %c0_i32_0 = arith.constant 0 : i32
    %c0_i32_1 = arith.constant 0 : i32
    return %c0_i32, %c0_i32_0 : i32, i32
  }
  func.func @transform_1(%arg0: i32) -> (i32, i32) {
    %c0_i32 = arith.constant 0 : i32
    %c0_i32_0 = arith.constant 0 : i32
    %c0_i32_1 = arith.constant 0 : i32
    return %c0_i32, %c0_i32_0 : i32, i32
  }
  func.func @transform_2(%arg0: i32) -> (i32, i32) {
    %c0_i32 = arith.constant 0 : i32
    %c0_i32_0 = arith.constant 0 : i32
    return %arg0, %c0_i32 : i32, i32
  }
  func.func @transform_3(%arg0: i32) -> (i32, i32) {
    %c0_i32 = arith.constant 0 : i32
    %c0_i32_0 = arith.constant 0 : i32
    return %arg0, %c0_i32 : i32, i32
  }
}

module attributes {stable_mosaic.version = 14 : i64} {
  func.func @_ffn_body(%arg0: i32, %arg1: memref<32xi32, #tpu.memory_space<smem>>, %arg2: memref<128x384xf32, #tpu.memory_space<vmem>>, %arg3: memref<1x384x1536xf32, #tpu.memory_space<vmem>>, %arg4: memref<1x1x1536xf32, #tpu.memory_space<vmem>>, %arg5: memref<1x1536x384xf32, #tpu.memory_space<vmem>>, %arg6: memref<1x1x384xf32, #tpu.memory_space<vmem>>, %arg7: memref<128x1xf32, #tpu.memory_space<vmem>>, %arg8: memref<128x384xf32, #tpu.memory_space<vmem>>) attributes {dimension_semantics = [#tpu.dimension_semantics<arbitrary>], iteration_bounds = array<i64: 30>, scalar_prefetch = 1 : i64, scratch_operands = 0 : i64, tpu.core_type = #tpu.core_type<tc>, window_params = [{transform_indices = @transform_0, window_bounds = array<i64: 128, 384>}, {transform_indices = @transform_1, window_bounds = array<i64: 1, 384, 1536>}, {transform_indices = @transform_2, window_bounds = array<i64: 1, 1, 1536>}, {transform_indices = @transform_3, window_bounds = array<i64: 1, 1536, 384>}, {transform_indices = @transform_4, window_bounds = array<i64: 1, 1, 384>}, {transform_indices = @transform_5, window_bounds = array<i64: 128, 1>}, {transform_indices = @transform_6, window_bounds = array<i64: 128, 384>}]} {
    %get3A = arith.constant 0 : index
    %get3A_0 = arith.constant 0 : index
    %get3A_1 = vector.load %arg2[%get3A, %get3A_0] : memref<128x384xf32, #tpu.memory_space<vmem>>, vector<128x384xf32>
    %convert_element_type3A = arith.truncf %get3A_1 : vector<128x384xf32> to vector<128x384xbf16>
    %get3A_2 = arith.constant 0 : index
    %get3A_3 = arith.constant 0 : index
    %get3A_4 = arith.constant 0 : index
    %get3A_5 = vector.load %arg3[%get3A_2, %get3A_3, %get3A_4] : memref<1x384x1536xf32, #tpu.memory_space<vmem>>, vector<1x384x1536xf32>
    %get3A_6 = vector.shape_cast %get3A_5 : vector<1x384x1536xf32> to vector<384x1536xf32>
    %convert_element_type3A_7 = arith.truncf %get3A_6 : vector<384x1536xf32> to vector<384x1536xbf16>
    %dot_general3A = arith.constant dense<0.000000e+00> : vector<128x1536xf32>
    %dot_general3A_8 = tpu.matmul %convert_element_type3A, %convert_element_type3A_7, %dot_general3A {dimension_numbers = #tpu.dot_dimension_numbers<[1], [0], [0], [1], [0, 0, 1, 1], [], []>, transpose_lhs_hint = false} : vector<128x384xbf16>, vector<384x1536xbf16>, vector<128x1536xf32> -> vector<128x1536xf32>
    %convert_element_type3A_9 = arith.truncf %dot_general3A_8 : vector<128x1536xf32> to vector<128x1536xbf16>
    %get3A_10 = arith.constant 0 : index
    %get3A_11 = arith.constant 0 : index
    %get3A_12 = arith.constant 0 : index
    %get3A_13 = vector.load %arg4[%get3A_10, %get3A_11, %get3A_12] : memref<1x1x1536xf32, #tpu.memory_space<vmem>>, vector<1x1x1536xf32>
    %get3A_14 = vector.shape_cast %get3A_13 : vector<1x1x1536xf32> to vector<1x1536xf32>
    %convert_element_type3A_15 = arith.truncf %get3A_14 : vector<1x1536xf32> to vector<1x1536xbf16>
    %add3A = vector.broadcast %convert_element_type3A_15 : vector<1x1536xbf16> to vector<128x1536xbf16>
    %add3A_16 = arith.addf %convert_element_type3A_9, %add3A : vector<128x1536xbf16>
    %integer_pow3A = arith.mulf %add3A_16, %add3A_16 : vector<128x1536xbf16>
    %integer_pow3A_17 = arith.mulf %add3A_16, %integer_pow3A : vector<128x1536xbf16>
    %mul3A = arith.constant 4.467770e-02 : bf16
    %mul3A_18 = vector.broadcast %mul3A : bf16 to vector<128x1536xbf16>
    %mul3A_19 = arith.mulf %mul3A_18, %integer_pow3A_17 : vector<128x1536xbf16>
    %add3A_20 = arith.addf %add3A_16, %mul3A_19 : vector<128x1536xbf16>
    %mul3A_21 = arith.constant 7.968750e-01 : bf16
    %mul3A_22 = vector.broadcast %mul3A_21 : bf16 to vector<128x1536xbf16>
    %mul3A_23 = arith.mulf %mul3A_22, %add3A_20 : vector<128x1536xbf16>
    %tanh3A = math.tanh %mul3A_23 : vector<128x1536xbf16>
    %add3A_24 = arith.constant 1.000000e+00 : bf16
    %add3A_25 = vector.broadcast %add3A_24 : bf16 to vector<128x1536xbf16>
    %add3A_26 = arith.addf %add3A_25, %tanh3A : vector<128x1536xbf16>
    %mul3A_27 = arith.constant 5.000000e-01 : bf16
    %mul3A_28 = vector.broadcast %mul3A_27 : bf16 to vector<128x1536xbf16>
    %mul3A_29 = arith.mulf %mul3A_28, %add3A_26 : vector<128x1536xbf16>
    %mul3A_30 = arith.mulf %add3A_16, %mul3A_29 : vector<128x1536xbf16>
    %get3A_31 = arith.constant 0 : index
    %get3A_32 = arith.constant 0 : index
    %get3A_33 = arith.constant 0 : index
    %get3A_34 = vector.load %arg5[%get3A_31, %get3A_32, %get3A_33] : memref<1x1536x384xf32, #tpu.memory_space<vmem>>, vector<1x1536x384xf32>
    %get3A_35 = vector.shape_cast %get3A_34 : vector<1x1536x384xf32> to vector<1536x384xf32>
    %convert_element_type3A_36 = arith.truncf %get3A_35 : vector<1536x384xf32> to vector<1536x384xbf16>
    %dot_general3A_37 = arith.constant dense<0.000000e+00> : vector<128x384xf32>
    %dot_general3A_38 = tpu.matmul %mul3A_30, %convert_element_type3A_36, %dot_general3A_37 {dimension_numbers = #tpu.dot_dimension_numbers<[1], [0], [0], [1], [0, 0, 1, 1], [], []>, transpose_lhs_hint = false} : vector<128x1536xbf16>, vector<1536x384xbf16>, vector<128x384xf32> -> vector<128x384xf32>
    %get3A_39 = arith.constant 0 : index
    %get3A_40 = arith.constant 0 : index
    %get3A_41 = vector.load %arg7[%get3A_39, %get3A_40] : memref<128x1xf32, #tpu.memory_space<vmem>>, vector<128x1xf32>
    %get3A_42 = arith.constant 0 : index
    %get3A_43 = arith.constant 0 : index
    %get3A_44 = arith.constant 0 : index
    %get3A_45 = vector.load %arg6[%get3A_42, %get3A_43, %get3A_44] : memref<1x1x384xf32, #tpu.memory_space<vmem>>, vector<1x1x384xf32>
    %get3A_46 = vector.shape_cast %get3A_45 : vector<1x1x384xf32> to vector<1x384xf32>
    %add3A_47 = vector.broadcast %get3A_46 : vector<1x384xf32> to vector<128x384xf32>
    %add3A_48 = arith.addf %dot_general3A_38, %add3A_47 : vector<128x384xf32>
    %mul3A_49 = vector.broadcast %get3A_41 : vector<128x1xf32> to vector<128x384xf32>
    %mul3A_50 = arith.mulf %mul3A_49, %add3A_48 : vector<128x384xf32>
    %swap3A = arith.constant 0 : index
    %swap3A_51 = arith.constant 0 : index
    %swap3A_52 = vector.load %arg8[%swap3A, %swap3A_51] : memref<128x384xf32, #tpu.memory_space<vmem>>, vector<128x384xf32>
    tpu.vector_store %arg8[%swap3A, %swap3A_51], %mul3A_50 {strides = array<i32>} : memref<128x384xf32, #tpu.memory_space<vmem>>, vector<128x384xf32>,
    return
  }
  func.func @transform_0(%arg0: i32, %arg1: memref<32xi32, #tpu.memory_space<smem>>) -> (i32, i32) {
    %c0_i32 = arith.constant 0 : i32
    %c0_i32_0 = arith.constant 0 : i32
    return %arg0, %c0_i32 : i32, i32
  }
  func.func @transform_1(%arg0: i32, %arg1: memref<32xi32, #tpu.memory_space<smem>>) -> (i32, i32, i32) {
    %get3A = arith.index_cast %arg0 : i32 to index
    %get3A_0 = memref.load %arg1[%get3A] : memref<32xi32, #tpu.memory_space<smem>>
    %c0_i32 = arith.constant 0 : i32
    %c0_i32_1 = arith.constant 0 : i32
    %c0_i32_2 = arith.constant 0 : i32
    return %get3A_0, %c0_i32, %c0_i32_1 : i32, i32, i32
  }
  func.func @transform_2(%arg0: i32, %arg1: memref<32xi32, #tpu.memory_space<smem>>) -> (i32, i32, i32) {
    %get3A = arith.index_cast %arg0 : i32 to index
    %get3A_0 = memref.load %arg1[%get3A] : memref<32xi32, #tpu.memory_space<smem>>
    %c0_i32 = arith.constant 0 : i32
    %c0_i32_1 = arith.constant 0 : i32
    %c0_i32_2 = arith.constant 0 : i32
    return %get3A_0, %c0_i32, %c0_i32_1 : i32, i32, i32
  }
  func.func @transform_3(%arg0: i32, %arg1: memref<32xi32, #tpu.memory_space<smem>>) -> (i32, i32, i32) {
    %get3A = arith.index_cast %arg0 : i32 to index
    %get3A_0 = memref.load %arg1[%get3A] : memref<32xi32, #tpu.memory_space<smem>>
    %c0_i32 = arith.constant 0 : i32
    %c0_i32_1 = arith.constant 0 : i32
    %c0_i32_2 = arith.constant 0 : i32
    return %get3A_0, %c0_i32, %c0_i32_1 : i32, i32, i32
  }
  func.func @transform_4(%arg0: i32, %arg1: memref<32xi32, #tpu.memory_space<smem>>) -> (i32, i32, i32) {
    %get3A = arith.index_cast %arg0 : i32 to index
    %get3A_0 = memref.load %arg1[%get3A] : memref<32xi32, #tpu.memory_space<smem>>
    %c0_i32 = arith.constant 0 : i32
    %c0_i32_1 = arith.constant 0 : i32
    %c0_i32_2 = arith.constant 0 : i32
    return %get3A_0, %c0_i32, %c0_i32_1 : i32, i32, i32
  }
  func.func @transform_5(%arg0: i32, %arg1: memref<32xi32, #tpu.memory_space<smem>>) -> (i32, i32) {
    %c0_i32 = arith.constant 0 : i32
    %c0_i32_0 = arith.constant 0 : i32
    return %arg0, %c0_i32 : i32, i32
  }
  func.func @transform_6(%arg0: i32, %arg1: memref<32xi32, #tpu.memory_space<smem>>) -> (i32, i32) {
    %c0_i32 = arith.constant 0 : i32
    %c0_i32_0 = arith.constant 0 : i32
    return %arg0, %c0_i32 : i32, i32
  }
}

</mosaic_0001>

<sc_bundles>
// kernel: kernel.10.cloned.1.call-start
scs
__scs_entry_jumppad:
0x0: {  	(pc) =	sbr.rel $0x88, $3  }
0x1: {  	(tag) =	ssettag $0x0;
	lr =	simm.s32 $0x1  }
0x2: {  	[smem:$0x3F9B] =	sst lr;
	_ =	strace $0xD0000000  }
0x3: {  	_ = 	snop  }
0x4: {  	_ = 	snop  }
0x5: {  	_ = 	snop  }
0x6: {  	_ = 	snop  }
0x7: {  	_ = 	snop  }
__scs_overlays_trampoline_lowered:
0x8: {  	[smem:$0x3FAA] =	sst s0  }
0x9: {  	[smem:$0x3FAB] =	sst s1  }
0xa: {  	[smem:$0x3FAC] =	sst s2  }
0xb: {  	[smem:$0x3FAD] =	sst s3  }
0xc: {  	[smem:$0x3FAE] =	sst s4  }
0xd: {  	[smem:$0x3FAF] =	sst s5  }
0xe: {  	[smem:$0x3FB0] =	sst s6  }
0xf: {  	[smem:$0x3FB1] =	sst s7  }
0x10: {  	[smem:$0x3FB2] =	sst s8  }
0x11: {  	[smem:$0x3FB3] =	sst s9;
	s0 =	simm.s32 @!p0 $0x0  }
0x12: {  	s1 =	sld [smem:$0x3F99];
	s0 =	simm.s32 @p0 $0x1  }
0x13: {  	[smem:$0x3FB4] =	sst s0;
	s0 =	simm.s32 @!p1 $0x0  }
0x14: {  	s2 =	sld [smem:$0x3F98];
	s0 =	simm.s32 @p1 $0x1  }
0x15: {  	[smem:$0x3FB5] =	sst s0;
	s0 =	simm.s32 @!p2 $0x0  }
0x16: {  	s3 =	sld [smem:$0x3FDB];
	s0 =	simm.s32 @p2 $0x1  }
0x17: {  	s4 =	simm.s32 $0x1BF5;
	[smem:$0x3FB7] =	sst s0  }
0x18: {  	s0 =	sld [smem:$0x3F9A];
	_ =	swait.ge [sflag:s4], $0x0  }
0x19: {  	s7 =	sld [smem:$0x3F9B]  }
0x1a: {  	s8 =	sadd.s32 $0xFFFFE003, lr  }
0x1b: {  	s9 =	sadd.s32 $0xFFFFFEF7, lr;
	s5 =	simm.s32 $0xFFFFFFFF;
	p2 =	slt.u32 s8, $0xFFFFF086  }
0x1c: {  	p1 =	slt.u32 s9, $0xF7A;
	s5 =	simm.s32 @!p2 $0x0  }
0x1d: {  	s5 =	simm.s32 @p1 $0x1;
	p0 =	seq.s32 s7, s2  }
0x1e: {  	s7 =	smul.u32 @!p0 $0xF7A, s2;
	p2 =	seq.s32 @!p0 s5, $0x0  }
0x1f: {  	s9 =	smul.u32 $0xF7A, s1;
	s8 =	simm.s32 @!p0 $0x1BF5;
	p2 =	por !p2, p0  }
0x20: {  	[sflag:s8] =	ssyncset.s32 @!p0 $0xFFFFF086;
	s6 =	sadd.s32 @!p0 s3, s7;
	s7 =	simm.s32 @!p0 $0x108  }
0x21: {  	s3 =	sadd.s32 s3, s9;
	s6 =	sadd.s32 @!p0 $0x88, s6;
	s7 =	simm.s32 @p2 $0x1082  }
0x22: {  	[simem:s7], [sflag:s8] =	dma.local @!p0 [hbm:s6], $0xF7A  }
0x23: {  	s9 =	sor.u32 $0xD0000000, s2;
	s6 =	simm.s32 $0x108;
	_ =	swait.ge @!p0 [sflag:s8], $0x0  }
0x24: {  	s3 =	sadd.s32 $0x88, s3;
	s6 =	simm.s32 @!p1 $0x1082;
	[sflag:s4] =	ssyncset.s32 $0xFFFFF086  }
0x25: {  	[simem:s6], [sflag:s4] =	dma.local [hbm:s3], $0xF7A  }
0x26: {  	[smem:$0x3F9B] =	sst s1;
	(tag) =	ssettag s2;
	_ =	strace s9  }
0x27: {  	s1 =	sld [smem:$0x3FAB]  }
0x28: {  	s2 =	sld [smem:$0x3FAC]  }
0x29: {  	s4 =	sld [smem:$0x3FAE]  }
0x2a: {  	p0 =	seq.s32 s5, $0x0;
	s5 =	sld [smem:$0x3FAF]  }
0x2b: {  	s6 =	sld [smem:$0x3FB0]  }
0x2c: {  	s7 =	sld [smem:$0x3FB1]  }
0x2d: {  	s3 =	simm.s32 $0x108;
	s8 =	sld [smem:$0x3FB2]  }
0x2e: {  	s3 =	simm.s32 @!p0 $0x1082;
	s9 =	sld [smem:$0x3FB3]  }
0x2f: {  	lr =	sadd.s32 s0, s3;
	s0 =	sld [smem:$0x3FAA]  }
0x30: {  	s3 =	sld [smem:$0x3FAD]  }
0x31: {  	[smem:$0x3FB6] =	sst s10  }
0x32: {  	s10 =	sld [smem:$0x3FB4];
	_ =	sdelay $0x3  }
0x33: {  	p0 =	seq.s32 s10, $0x1;
	s10 =	sld [smem:$0x3FB6];
	_ =	sdelay $0x3  }
0x34: {  	[smem:$0x3FB6] =	sst s10  }
0x35: {  	s10 =	sld [smem:$0x3FB5];
	_ =	sdelay $0x3  }
0x36: {  	p1 =	seq.s32 s10, $0x1;
	s10 =	sld [smem:$0x3FB6];
	_ =	sdelay $0x3  }
0x37: {  	[smem:$0x3FB6] =	sst s10  }
0x38: {  	s10 =	sld [smem:$0x3FB7]  }
0x39: {  	_ = 	snop;
	(pc) =	sbr.ind lr, $3  }
0x3a: {  	_ = 	snop  }
0x3b: {  	_ = 	snop  }
0x3c: {  	p2 =	seq.s32 s10, $0x1;
	s10 =	sld [smem:$0x3FB6]  }
0x3d: {  	_ =	shalt  }
0x3e: {  	_ =	shalt  }
0x3f: {  	_ =	shalt  }
0x40: {  	_ =	shalt  }
0x41: {  	_ =	shalt  }
0x42: {  	_ =	shalt  }
0x43: {  	_ =	shalt  }
0x44: {  	_ =	shalt  }
0x45: {  	_ =	shalt  }
0x46: {  	_ =	shalt  }
0x47: {  	_ =	shalt  }
0x48: {  	_ =	shalt  }
0x49: {  	_ =	shalt  }
0x4a: {  	_ =	shalt  }
0x4b: {  	_ =	shalt  }
0x4c: {  	_ =	shalt  }
0x4d: {  	_ =	shalt  }
0x4e: {  	_ =	shalt  }
0x4f: {  	_ =	shalt  }
0x50: {  	_ =	shalt  }
0x51: {  	_ =	shalt  }
0x52: {  	_ =	shalt  }
0x53: {  	_ =	shalt  }
0x54: {  	_ =	shalt  }
0x55: {  	_ =	shalt  }
0x56: {  	_ =	shalt  }
0x57: {  	_ =	shalt  }
0x58: {  	_ =	shalt  }
0x59: {  	_ =	shalt  }
0x5a: {  	_ =	shalt  }
0x5b: {  	_ =	shalt  }
0x5c: {  	_ =	shalt  }
0x5d: {  	_ =	shalt  }
0x5e: {  	_ =	shalt  }
0x5f: {  	_ =	shalt  }
0x60: {  	_ =	shalt  }
0x61: {  	_ =	shalt  }
0x62: {  	_ =	shalt  }
0x63: {  	_ =	shalt  }
0x64: {  	_ =	shalt  }
0x65: {  	_ =	shalt  }
0x66: {  	_ =	shalt  }
0x67: {  	_ =	shalt  }
0x68: {  	_ =	shalt  }
0x69: {  	_ =	shalt  }
0x6a: {  	_ =	shalt  }
0x6b: {  	_ =	shalt  }
0x6c: {  	_ =	shalt  }
0x6d: {  	_ =	shalt  }
0x6e: {  	_ =	shalt  }
0x6f: {  	_ =	shalt  }
0x70: {  	_ =	shalt  }
0x71: {  	_ =	shalt  }
0x72: {  	_ =	shalt  }
0x73: {  	_ =	shalt  }
0x74: {  	_ =	shalt  }
0x75: {  	_ =	shalt  }
0x76: {  	_ =	shalt  }
0x77: {  	_ =	shalt  }
0x78: {  	_ =	shalt  }
0x79: {  	_ =	shalt  }
0x7a: {  	_ =	shalt  }
0x7b: {  	_ =	shalt  }
0x7c: {  	_ =	shalt  }
0x7d: {  	_ =	shalt  }
0x7e: {  	_ =	shalt  }
0x7f: {  	_ =	shalt  }
0x80: {  	_ =	shalt  }
0x81: {  	_ =	shalt  }
0x82: {  	_ =	shalt  }
0x83: {  	_ =	shalt  }
0x84: {  	_ =	shalt  }
0x85: {  	_ =	shalt  }
0x86: {  	_ =	shalt  }
0x87: {  	_ =	shalt  }
.Lfunc_end0:
.L_simem_size_0:
called_computation.1_lowered:
.L_overlay_start_0:
0x88: {  	s2 =	sld [smem:$0x3FD9]  }
0x89: {  	s3 =	sld [smem:$0x3FFE];
	_ =	sdelay $0x1  }
0x8a: {  	s1 =	srdreg.scid  }
0x8b: {  	s0 =	sand.u32 $0x1, s1  }
0x8c: {  	s16 =	sshll.u32 s0, $0xA;
	s2 =	sadd.s32 s3, s2  }
0x8d: {  	s2 =	sadd.s32 s2, s16  }
0x8e: {  	[smem:$0x3FC2] =	sst s2  }
0x8f: {  	_ = 	snop  }
0x90: {  	(tm) =	ssettm $0x1  }
0x91: {  	s17 =	sld [smem:$0x3FFB];
	_ =	sdelay $0x3  }
0x92: {  	_ =	strace s17  }
0x93: {  	s2 =	sld [smem:$0x3FFC];
	_ =	sdelay $0x3  }
0x94: {  	_ =	strace s2  }
0x95: {  	s2 =	sld [smem:$0x3FFD];
	_ =	sdelay $0x3  }
0x96: {  	_ =	strace s2  }
0x97: {  	_ =	strace $0x8FFFFFFF  }
0x98: {  	s18 =	sld [smem:$0x3FDB];
	_ =	sdelay $0x1  }
0x99: {  	s19 =	simm.s32 $_scs_section_size  }
0x9a: {  	s4 =	simm.s32 $_size__tile_overlayer_lowered;
	s5 =	simm.s32 $_tile_overlayer_lowered  }
0x9b: {  	s22 =	simm.s32 $0x1BFF;
	s21 =	sshll.u32 s5, $0x1;
	s2 =	sadd.s32 s19, s18  }
0x9c: {  	s6 =	simm.s32 $0x0;
	s20 =	sshll.u32 s4, $0x1;
	s4 =	sadd.s32 s21, s2  }
0x9d: {  	[timem:s6], [sflag:s22] =	dma.local [hbm:s4], s20  }
0x9e: {  	_ =	swait.ge [sflag:s22], s20  }
0x9f: {  	s3 =	ssub.s32 $0x0, s20;
	[sflag:s22] =	ssyncset.done $0x0  }
0xa0: {  	[sflag:s22] =	ssyncadd.s32 s3;
	_ =	sdelay $0x1  }
0xa1: {  	s23 =	simm.s32 $0x1B8B  }
0xa2: {  	_ =	swait.ge [sflag:s23], $0x1  }
0xa3: {  	[sflag:s23] =	ssyncset.done $0x0  }
0xa4: {  	s25 =	simm.s32 $0x1B8E;
	s24 =	sld [smem:$0x3FFE];
	[sflag:s23] =	ssyncadd.s32 $0xFFFFFFFF  }
0xa5: {  	s26 =	simm.s32 $execute0_lowered;
	[smem:$0x3FD2] =	sst s25  }
0xa6: {  	s4 =	sshll.u32 s26, $0x1;
	_ =	strace $0x80000049;
	[dreg:$0x1] =	wrdreg $0xFFFFFFFF  }
0xa7: {  	s28 =	simm.s32 $_size_execute0_lowered;
	s2 =	sadd.s32 s2, s4;
	[dreg:$0x0] =	wrdreg $0x0  }
0xa8: {  	s4 =	sshll.u32 s28, $0x1;
	[dreg:$0x2] =	wrdreg s2  }
0xa9: {  	[dreg:$0x3] =	wrdreg s4  }
0xaa: {  	[dreg:$0x4] =	wrdreg $0xC0  }
0xab: {  	_ =	task [dreg:s6], $0x5FFFF  }
0xac: {  	[dreg:$0x1] =	wrdreg $0xFFFFFFFF  }
0xad: {  	[dreg:$0x0] =	wrdreg $0x60  }
0xae: {  	[dreg:$0x2] =	wrdreg s24  }
0xaf: {  	[dreg:$0x3] =	wrdreg $0x9  }
0xb0: {  	_ =	task.clear_ibuf [dreg:s6], $0x4FFFF;
	_ =	strace $0x90000049  }
0xb1: {  	s29 =	simm.s32 $0x9;
	_ =	strace $0x8000004B  }
0xb2: {  	_ =	swait.ge [sflag:s29], $0x1  }
0xb3: {  	[sflag:s29] =	ssyncadd.s32 $0xFFFFFFFF  }
0xb4: {  	_ =	strace $0x9000004B  }
0xb5: {  	_ =	sfence  }
0xb6: {  	s30 =	sld [smem:$0x0];
	_ =	sdelay $0x2  }
0xb7: {  	s31 =	sshll.u32 s1, $0xD;
	s1 =	sshrl.u32 s1, $0x2  }
0xb8: {  	s3 =	sand.u32 $0x4000, s31;
	s1 =	sadd.s32 s1, s30  }
0xb9: {  	s0 =	sor.u32 s3, s0;
	s1 =	sshll.u32 s1, $0x11  }
0xba: {  	s0 =	sor.u32 s1, s0  }
0xbb: {  	s0 =	sadd.s32 $0x8F2B, s0  }
0xbc: {  	[sflag:s0] =	ssyncadd.remote.s32 $0x1  }
0xbd: {  	_ =	sfence.sel $0xFFFF  }
0xbe: {  	[dreg:$0x0] =	wrdreg $0xFFFFFFFF;
	(pc) =	sbr.abs _section_cstart, $3  }
0xbf: {  	[dreg:$0x1] =	wrdreg $0xFFFFFFFF  }
0xc0: {  	_ =	task.clear_ibuf [dreg:s6], $0x2FFFF;
	_ =	strace $0x9FFFFFFF  }
0xc1: {  	(tm) =	ssettm $0x7FFFFFFF  }
tec
execute0_lowered:
.L_overlay_start_1:
0x0: {  	(tag) =	ssettag $0x1  }
0x1: {  	s0 =	srdreg.scid  }
0x2: {  	s1 =	stileid.u32;
	s2 =	rddreg [dreg:$0x0];
	s3 =	simm.s32 $0x0  }
0x3: {  	s9 =	simm.s32 $0x3;
	s11 =	simm.s32 $0x100;
	s30 =	simm.s32 $0x6D00  }
0x4: {  	s31 =	simm.s32 $0x7500;
	s10 =	simm.s32 $0x8500;
	s12 =	simm.s32 $0x8D00  }
0x5: {  	s13 =	simm.s32 $0x9100;
	s14 =	simm.s32 $0x9900;
	s15 =	simm.s32 $0x9D00  }
0x6: {  	s16 =	simm.s32 $0xA500;
	s17 =	simm.s32 $0xA900;
	s18 =	simm.s32 $0xB100  }
0x7: {  	s19 =	simm.s32 $0xB500;
	s20 =	simm.s32 $0xBD00;
	s21 =	simm.s32 $0x1  }
0x8: {  	s22 =	simm.s32 $0x2;
	s23 =	simm.s32 $0x0;
	s0 =	sand.u32 $0x1, s0  }
0x9: {  	s1 =	sshll.u32 s1, $0x4;
	[smem:$0x7FF] =	sst s3;
	s4 =	sshll.u32 s0, $0x3  }
0xa: {  	s6 =	sadd.s32 $0x100, s2;
	s0 =	ssub.s32 $0x2, s0;
	s1 =	sor.u32 s4, s1  }
0xb: {  	s5 =	sshrl.u32 s0, $0x1;
	s4 =	smul.u32 $0x180, s1;
	s1 =	sadd.s32 s1, s2  }
0xc: {  	v2 =	vlaneseq.u32;
	_ =	strace $0x8000004A;
	s0 =	ssub.s32 s0, s5;
	s5 =	sadd.s32 $0x48200, s1  }
0xd: {  	vm0 =	vmmov $0xffff;
	vm1 =	vmmov $0xff;
	v1 =	vshrl.u32 v2, $0x3;
	s8 =	smax.u32 s0, $0x1;
	s0 =	simm.s32 $0x8100;
	s7 =	sadd.s32 s4, s2  }
0xe: {  	v0 =	vand.u32 $0x7, v2;
	v2 =	vor.u32 $0x8, v2;
	v1 =	vmul.u32 $0x8, v1;
	s4 =	sadd.s32 $0x48000, s1;
	s1 =	simm.s32 $0x7900;
	s7 =	sadd.s32 $0x30000, s7  }
.LBB2_1:
0xf: {  	[tilespmem:s3], [sflag:$0x3] =	stream.linear.gather [hbm4b:s4+s3], $0x40, $0x38;
	[tilespmem:$0xC100] =	vst v63  }
0x10: {  	_ =	swait.ge [sflag:s9], $0x40  }
0x11: {  	[sflag:s9] =	ssyncset.done $0x0  }
0x12: {  	s24 =	simm.s32 $0x80;
	[sflag:s9] =	ssyncadd.s32 $0xFFFFFFC0  }
0x13: {  	[tilespmem:s24], [sflag:$0x3] =	stream.linear.gather [hbm4b:s5+s3], $0x40, $0x38;
	[tilespmem:$0xC100] =	vst v63  }
0x14: {  	_ =	swait.ge [sflag:s9], $0x40  }
0x15: {  	[sflag:s9] =	ssyncset.done $0x0  }
0x16: {  	[sflag:s9] =	ssyncadd.s32 $0xFFFFFFC0  }
0x17: {  	v3 =	vld [tilespmem:$0x0];
	_ =	sdelay $0x4  }
0x18: {  	v4 =	vshrl.u32 v3, $0x3  }
0x19: {  	v4 =	vmul.u32 $0x18, v4  }
0x1a: {  	v3 =	vand.u32 $0x7, v3  }
0x1b: {  	v3 =	vor.u32 v3, v4  }
0x1c: {  	v4 =	vperm.xlane v3, v0;
	_ =	sdelay $0x1  }
0x1d: {  	v4 =	vadd.s32 v1, v4;
	_ =	sdelay $0x1  }
0x1e: {  	v3 =	vperm.xlane v3, v2;
	_ =	sdelay $0x1  }
0x1f: {  	v3 =	vadd.s32 v1, v3  }
0x20: {  	[tilespmem:s11], [sflag:$0x1] =	stream.indirect_vreg.gather [hbm4b:s2+s3], $0x80, v4, vm0, $0xb8;
	[tilespmem:$0xC100] =	vst v63  }
0x21: {  	s28 =	simm.s32 $0x900  }
0x22: {  	[tilespmem:s28], [sflag:$0x1] =	stream.indirect_vreg.gather [hbm4b:s6+s3], $0x80, v4, vm1, $0xb8;
	[tilespmem:$0xC100] =	vst v63  }
0x23: {  	s29 =	simm.s32 $0xD00  }
0x24: {  	[tilespmem:s29], [sflag:$0x1] =	stream.indirect_vreg.gather [hbm4b:s2+s3], $0x80, v3, vm0, $0xb8;
	[tilespmem:$0xC100] =	vst v63  }
0x25: {  	s25 =	simm.s32 $0x1500  }
0x26: {  	[tilespmem:s25], [sflag:$0x1] =	stream.indirect_vreg.gather [hbm4b:s6+s3], $0x80, v3, vm1, $0xb8;
	[tilespmem:$0xC100] =	vst v63  }
0x27: {  	v3 =	vld [tilespmem:$0x10];
	_ =	sdelay $0x4  }
0x28: {  	v4 =	vshrl.u32 v3, $0x3  }
0x29: {  	v4 =	vmul.u32 $0x18, v4  }
0x2a: {  	v3 =	vand.u32 $0x7, v3  }
0x2b: {  	v3 =	vor.u32 v3, v4  }
0x2c: {  	v4 =	vperm.xlane v3, v0;
	_ =	sdelay $0x1  }
0x2d: {  	v4 =	vadd.s32 v1, v4;
	_ =	sdelay $0x1  }
0x2e: {  	v3 =	vperm.xlane v3, v2;
	_ =	sdelay $0x1  }
0x2f: {  	s26 =	simm.s32 $0x1900;
	v3 =	vadd.s32 v1, v3  }
0x30: {  	[tilespmem:s26], [sflag:$0x1] =	stream.indirect_vreg.gather [hbm4b:s2+s3], $0x80, v4, vm0, $0xb8;
	[tilespmem:$0xC100] =	vst v63  }
0x31: {  	s28 =	simm.s32 $0x2100  }
0x32: {  	[tilespmem:s28], [sflag:$0x1] =	stream.indirect_vreg.gather [hbm4b:s6+s3], $0x80, v4, vm1, $0xb8;
	[tilespmem:$0xC100] =	vst v63  }
0x33: {  	s29 =	simm.s32 $0x2500  }
0x34: {  	[tilespmem:s29], [sflag:$0x1] =	stream.indirect_vreg.gather [hbm4b:s2+s3], $0x80, v3, vm0, $0xb8;
	[tilespmem:$0xC100] =	vst v63  }
0x35: {  	s25 =	simm.s32 $0x2D00  }
0x36: {  	[tilespmem:s25], [sflag:$0x1] =	stream.indirect_vreg.gather [hbm4b:s6+s3], $0x80, v3, vm1, $0xb8;
	[tilespmem:$0xC100] =	vst v63  }
0x37: {  	v3 =	vld [tilespmem:$0x20];
	_ =	sdelay $0x4  }
0x38: {  	v4 =	vshrl.u32 v3, $0x3  }
0x39: {  	v4 =	vmul.u32 $0x18, v4  }
0x3a: {  	v3 =	vand.u32 $0x7, v3  }
0x3b: {  	v3 =	vor.u32 v3, v4  }
0x3c: {  	v4 =	vperm.xlane v3, v0;
	_ =	sdelay $0x1  }
0x3d: {  	v4 =	vadd.s32 v1, v4;
	_ =	sdelay $0x1  }
0x3e: {  	v3 =	vperm.xlane v3, v2;
	_ =	sdelay $0x1  }
0x3f: {  	s26 =	simm.s32 $0x3100;
	v3 =	vadd.s32 v1, v3  }
0x40: {  	[tilespmem:s26], [sflag:$0x1] =	stream.indirect_vreg.gather [hbm4b:s2+s3], $0x80, v4, vm0, $0xb8;
	[tilespmem:$0xC100] =	vst v63  }
0x41: {  	s28 =	simm.s32 $0x3900  }
0x42: {  	[tilespmem:s28], [sflag:$0x1] =	stream.indirect_vreg.gather [hbm4b:s6+s3], $0x80, v4, vm1, $0xb8;
	[tilespmem:$0xC100] =	vst v63  }
0x43: {  	s29 =	simm.s32 $0x3D00  }
0x44: {  	[tilespmem:s29], [sflag:$0x1] =	stream.indirect_vreg.gather [hbm4b:s2+s3], $0x80, v3, vm0, $0xb8;
	[tilespmem:$0xC100] =	vst v63  }
0x45: {  	s25 =	simm.s32 $0x4500  }
0x46: {  	[tilespmem:s25], [sflag:$0x1] =	stream.indirect_vreg.gather [hbm4b:s6+s3], $0x80, v3, vm1, $0xb8;
	[tilespmem:$0xC100] =	vst v63  }
0x47: {  	v3 =	vld [tilespmem:$0x30];
	_ =	sdelay $0x4  }
0x48: {  	v4 =	vshrl.u32 v3, $0x3  }
0x49: {  	v4 =	vmul.u32 $0x18, v4  }
0x4a: {  	v3 =	vand.u32 $0x7, v3  }
0x4b: {  	v3 =	vor.u32 v3, v4  }
0x4c: {  	v4 =	vperm.xlane v3, v0;
	_ =	sdelay $0x1  }
0x4d: {  	v4 =	vadd.s32 v1, v4;
	_ =	sdelay $0x1  }
0x4e: {  	v3 =	vperm.xlane v3, v2;
	_ =	sdelay $0x1  }
0x4f: {  	s26 =	simm.s32 $0x4900;
	v3 =	vadd.s32 v1, v3  }
0x50: {  	[tilespmem:s26], [sflag:$0x1] =	stream.indirect_vreg.gather [hbm4b:s2+s3], $0x80, v4, vm0, $0xb8;
	[tilespmem:$0xC100] =	vst v63  }
0x51: {  	s28 =	simm.s32 $0x5100  }
0x52: {  	[tilespmem:s28], [sflag:$0x1] =	stream.indirect_vreg.gather [hbm4b:s6+s3], $0x80, v4, vm1, $0xb8;
	[tilespmem:$0xC100] =	vst v63  }
0x53: {  	s29 =	simm.s32 $0x5500  }
0x54: {  	[tilespmem:s29], [sflag:$0x1] =	stream.indirect_vreg.gather [hbm4b:s2+s3], $0x80, v3, vm0, $0xb8;
	[tilespmem:$0xC100] =	vst v63  }
0x55: {  	s25 =	simm.s32 $0x5D00  }
0x56: {  	[tilespmem:s25], [sflag:$0x1] =	stream.indirect_vreg.gather [hbm4b:s6+s3], $0x80, v3, vm1, $0xb8;
	[tilespmem:$0xC100] =	vst v63  }
0x57: {  	v3 =	vld [tilespmem:$0x80];
	_ =	sdelay $0x4  }
0x58: {  	v4 =	vshrl.u32 v3, $0x3  }
0x59: {  	v4 =	vmul.u32 $0x18, v4  }
0x5a: {  	v3 =	vand.u32 $0x7, v3  }
0x5b: {  	v3 =	vor.u32 v3, v4  }
0x5c: {  	v4 =	vperm.xlane v3, v0;
	_ =	sdelay $0x1  }
0x5d: {  	v4 =	vadd.s32 v1, v4;
	_ =	sdelay $0x1  }
0x5e: {  	v3 =	vperm.xlane v3, v2;
	_ =	sdelay $0x1  }
0x5f: {  	s26 =	simm.s32 $0x6100;
	v3 =	vadd.s32 v1, v3  }
0x60: {  	[tilespmem:s26], [sflag:$0x2] =	stream.indirect_vreg.gather [hbm4b:s2+s3], $0x80, v4, vm0, $0xb8;
	[tilespmem:$0xC100] =	vst v63  }
0x61: {  	s28 =	simm.s32 $0x6900  }
0x62: {  	[tilespmem:s28], [sflag:$0x2] =	stream.indirect_vreg.gather [hbm4b:s6+s3], $0x80, v4, vm1, $0xb8;
	[tilespmem:$0xC100] =	vst v63  }
0x63: {  	_ = 	snop  }
0x64: {  	[tilespmem:s30], [sflag:$0x2] =	stream.indirect_vreg.gather [hbm4b:s2+s3], $0x80, v3, vm0, $0xb8;
	[tilespmem:$0xC100] =	vst v63  }
0x65: {  	_ = 	snop  }
0x66: {  	[tilespmem:s31], [sflag:$0x2] =	stream.indirect_vreg.gather [hbm4b:s6+s3], $0x80, v3, vm1, $0xb8;
	[tilespmem:$0xC100] =	vst v63  }
0x67: {  	v3 =	vld [tilespmem:$0x90];
	_ =	sdelay $0x4  }
0x68: {  	v4 =	vshrl.u32 v3, $0x3  }
0x69: {  	v4 =	vmul.u32 $0x18, v4  }
0x6a: {  	v3 =	vand.u32 $0x7, v3  }
0x6b: {  	v3 =	vor.u32 v3, v4  }
0x6c: {  	v4 =	vperm.xlane v3, v0;
	_ =	sdelay $0x1  }
0x6d: {  	v4 =	vadd.s32 v1, v4;
	_ =	sdelay $0x1  }
0x6e: {  	v3 =	vperm.xlane v3, v2;
	_ =	sdelay $0x1  }
0x6f: {  	v3 =	vadd.s32 v1, v3  }
0x70: {  	[tilespmem:s1], [sflag:$0x2] =	stream.indirect_vreg.gather [hbm4b:s2+s3], $0x80, v4, vm0, $0xb8;
	[tilespmem:$0xC100] =	vst v63  }
0x71: {  	_ = 	snop  }
0x72: {  	[tilespmem:s0], [sflag:$0x2] =	stream.indirect_vreg.gather [hbm4b:s6+s3], $0x80, v4, vm1, $0xb8;
	[tilespmem:$0xC100] =	vst v63  }
0x73: {  	_ = 	snop  }
0x74: {  	[tilespmem:s10], [sflag:$0x2] =	stream.indirect_vreg.gather [hbm4b:s2+s3], $0x80, v3, vm0, $0xb8;
	[tilespmem:$0xC100] =	vst v63  }
0x75: {  	_ = 	snop  }
0x76: {  	[tilespmem:s12], [sflag:$0x2] =	stream.indirect_vreg.gather [hbm4b:s6+s3], $0x80, v3, vm1, $0xb8;
	[tilespmem:$0xC100] =	vst v63  }
0x77: {  	v3 =	vld [tilespmem:$0xA0];
	_ =	sdelay $0x4  }
0x78: {  	v4 =	vshrl.u32 v3, $0x3  }
0x79: {  	v4 =	vmul.u32 $0x18, v4  }
0x7a: {  	v3 =	vand.u32 $0x7, v3  }
0x7b: {  	v3 =	vor.u32 v3, v4  }
0x7c: {  	v4 =	vperm.xlane v3, v0;
	_ =	sdelay $0x1  }
0x7d: {  	v4 =	vadd.s32 v1, v4;
	_ =	sdelay $0x1  }
0x7e: {  	v3 =	vperm.xlane v3, v2;
	_ =	sdelay $0x1  }
0x7f: {  	v3 =	vadd.s32 v1, v3  }
0x80: {  	[tilespmem:s13], [sflag:$0x2] =	stream.indirect_vreg.gather [hbm4b:s2+s3], $0x80, v4, vm0, $0xb8;
	[tilespmem:$0xC100] =	vst v63  }
0x81: {  	_ = 	snop  }
0x82: {  	[tilespmem:s14], [sflag:$0x2] =	stream.indirect_vreg.gather [hbm4b:s6+s3], $0x80, v4, vm1, $0xb8;
	[tilespmem:$0xC100] =	vst v63  }
0x83: {  	_ = 	snop  }
0x84: {  	[tilespmem:s15], [sflag:$0x2] =	stream.indirect_vreg.gather [hbm4b:s2+s3], $0x80, v3, vm0, $0xb8;
	[tilespmem:$0xC100] =	vst v63  }
0x85: {  	_ = 	snop  }
0x86: {  	[tilespmem:s16], [sflag:$0x2] =	stream.indirect_vreg.gather [hbm4b:s6+s3], $0x80, v3, vm1, $0xb8;
	[tilespmem:$0xC100] =	vst v63  }
0x87: {  	v3 =	vld [tilespmem:$0xB0];
	_ =	sdelay $0x4  }
0x88: {  	v4 =	vshrl.u32 v3, $0x3  }
0x89: {  	v4 =	vmul.u32 $0x18, v4  }
0x8a: {  	v3 =	vand.u32 $0x7, v3  }
0x8b: {  	v3 =	vor.u32 v3, v4  }
0x8c: {  	v4 =	vperm.xlane v3, v0;
	_ =	sdelay $0x1  }
0x8d: {  	v4 =	vadd.s32 v1, v4;
	_ =	sdelay $0x1  }
0x8e: {  	v3 =	vperm.xlane v3, v2;
	_ =	sdelay $0x1  }
0x8f: {  	v3 =	vadd.s32 v1, v3  }
0x90: {  	[tilespmem:s17], [sflag:$0x2] =	stream.indirect_vreg.gather [hbm4b:s2+s3], $0x80, v4, vm0, $0xb8;
	[tilespmem:$0xC100] =	vst v63  }
0x91: {  	_ = 	snop  }
0x92: {  	[tilespmem:s18], [sflag:$0x2] =	stream.indirect_vreg.gather [hbm4b:s6+s3], $0x80, v4, vm1, $0xb8;
	[tilespmem:$0xC100] =	vst v63  }
0x93: {  	_ = 	snop  }
0x94: {  	[tilespmem:s19], [sflag:$0x2] =	stream.indirect_vreg.gather [hbm4b:s2+s3], $0x80, v3, vm0, $0xb8;
	[tilespmem:$0xC100] =	vst v63  }
0x95: {  	_ = 	snop  }
0x96: {  	[tilespmem:s20], [sflag:$0x2] =	stream.indirect_vreg.gather [hbm4b:s6+s3], $0x80, v3, vm1, $0xb8;
	[tilespmem:$0xC100] =	vst v63  }
0x97: {  	_ =	swait.ge [sflag:s21], $0x6000  }
0x98: {  	[sflag:s21] =	ssyncset.done $0x0  }
0x99: {  	s29 =	simm.s32 $0x0;
	[sflag:s21] =	ssyncadd.s32 $0xFFFFA000  }
0x9a: {  	s24 =	smul.u32 $0xC00, s29;
	_ =	swait.ge [sflag:s22], $0x6000  }
0x9b: {  	s25 =	sand.u32 $0x380, s3;
	[sflag:s22] =	ssyncset.done $0x0  }
0x9c: {  	s24 =	sor.u32 s25, s24;
	[sflag:s22] =	ssyncadd.s32 $0xFFFFA000  }
0x9d: {  	v3 =	vld [tilespmem:s24+$0x6100]  }
0x9e: {  	v12 =	vld [tilespmem:s24+$0x6110]  }
0x9f: {  	v13 =	vld [tilespmem:s24+$0x6120]  }
0xa0: {  	v14 =	vld [tilespmem:s24+$0x6130]  }
0xa1: {  	v15 =	vld [tilespmem:s24+$0x6140]  }
0xa2: {  	v16 =	vld [tilespmem:s24+$0x6150]  }
0xa3: {  	v17 =	vld [tilespmem:s24+$0x6160]  }
0xa4: {  	v18 =	vld [tilespmem:s24+$0x6170]  }
0xa5: {  	v19 =	vld [tilespmem:s24+$0x6500]  }
0xa6: {  	v20 =	vld [tilespmem:s24+$0x6510]  }
0xa7: {  	v21 =	vld [tilespmem:s24+$0x6520]  }
0xa8: {  	v22 =	vld [tilespmem:s24+$0x6530]  }
0xa9: {  	v23 =	vld [tilespmem:s24+$0x6540]  }
0xaa: {  	v24 =	vld [tilespmem:s24+$0x6550]  }
0xab: {  	v25 =	vld [tilespmem:s24+$0x6560]  }
0xac: {  	v11 =	vld [tilespmem:s24+$0x6570]  }
0xad: {  	v10 =	vld [tilespmem:s24+$0x6900]  }
0xae: {  	v9 =	vld [tilespmem:s24+$0x6910]  }
0xaf: {  	v8 =	vld [tilespmem:s24+$0x6920]  }
0xb0: {  	v7 =	vld [tilespmem:s24+$0x6930]  }
0xb1: {  	v6 =	vld [tilespmem:s24+$0x6940]  }
0xb2: {  	v26 =	vld [tilespmem:s24+$0x100]  }
0xb3: {  	v27 =	vld [tilespmem:s24+$0x110]  }
0xb4: {  	v5 =	vld [tilespmem:s24+$0x6950]  }
0xb5: {  	v28 =	vld [tilespmem:s24+$0x120]  }
0xb6: {  	v4 =	vld [tilespmem:s24+$0x6960]  }
0xb7: {  	v29 =	vld [tilespmem:s24+$0x130]  }
0xb8: {  	v59 =	vld [tilespmem:s24+$0x140]  }
0xb9: {  	v60 =	vld [tilespmem:s24+$0x150]  }
0xba: {  	v61 =	vld [tilespmem:s24+$0x160];
	v26 =	vadd.f32 v3, v26  }
0xbb: {  	v62 =	vld [tilespmem:s24+$0x170];
	v12 =	vadd.f32 v12, v27  }
0xbc: {  	v63 =	vld [tilespmem:s24+$0x540];
	v13 =	vadd.f32 v13, v28;
	[tilespmem:s24+$0x100] =	vst v26  }
0xbd: {  	v3 =	vld [tilespmem:s24+$0x6970];
	v14 =	vadd.f32 v14, v29;
	[tilespmem:s24+$0x110] =	vst v12  }
0xbe: {  	v15 =	vadd.f32 v15, v59;
	v12 =	vld [tilespmem:s24+$0x500];
	[tilespmem:s24+$0x120] =	vst v13  }
0xbf: {  	v16 =	vadd.f32 v16, v60;
	v13 =	vld [tilespmem:s24+$0x510];
	[tilespmem:s24+$0x130] =	vst v14  }
0xc0: {  	v17 =	vadd.f32 v17, v61;
	v14 =	vld [tilespmem:s24+$0x520];
	[tilespmem:s24+$0x140] =	vst v15  }
0xc1: {  	v15 =	vld [tilespmem:s24+$0x530];
	[tilespmem:s24+$0x150] =	vst v16;
	v16 =	vadd.f32 v18, v62  }
0xc2: {  	[tilespmem:s24+$0x160] =	vst v17;
	v17 =	vld [tilespmem:s24+$0x550];
	v18 =	vadd.f32 v23, v63  }
0xc3: {  	[tilespmem:s24+$0x170] =	vst v16;
	v12 =	vadd.f32 v19, v12;
	v19 =	vld [tilespmem:s24+$0x560]  }
0xc4: {  	v16 =	vld [tilespmem:s24+$0x570];
	[tilespmem:s24+$0x540] =	vst v18;
	v13 =	vadd.f32 v20, v13  }
0xc5: {  	v14 =	vadd.f32 v21, v14;
	[tilespmem:s24+$0x500] =	vst v12;
	v12 =	vld [tilespmem:s24+$0x900]  }
0xc6: {  	v15 =	vadd.f32 v22, v15;
	[tilespmem:s24+$0x510] =	vst v13;
	v13 =	vld [tilespmem:s24+$0x910]  }
0xc7: {  	v18 =	vadd.f32 v24, v17;
	[tilespmem:s24+$0x520] =	vst v14;
	v14 =	vld [tilespmem:s24+$0x920]  }
0xc8: {  	s25 =	simm.s32 $0x1;
	s26 =	simm.s32 $0x0;
	[tilespmem:s24+$0x530] =	vst v15;
	v15 =	vld [tilespmem:s24+$0x930];
	v17 =	vadd.f32 v25, v19  }
.LBB2_2:
0xc9: {  	s28 =	sshrl.u32 s25, $0x3;
	p0 =	sne.s32 s25, $0x3F;
	[tilespmem:s24+$0x550] =	vst v18;
	v11 =	vadd.f32 v11, v16;
	v16 =	vld [tilespmem:s24+$0x940]  }
0xca: {  	s26 =	sadd.s32 $0x80, s26;
	s28 =	smul.u32 $0xC00, s28;
	[tilespmem:s24+$0x560] =	vst v17;
	v10 =	vadd.f32 v10, v12;
	v12 =	vld [tilespmem:s24+$0x950]  }
0xcb: {  	s29 =	sand.u32 $0x380, s26;
	[tilespmem:s24+$0x570] =	vst v11;
	v9 =	vadd.f32 v9, v13;
	v11 =	vld [tilespmem:s24+$0x960]  }
0xcc: {  	s28 =	sor.u32 s29, s28;
	[tilespmem:s24+$0x900] =	vst v10;
	v8 =	vadd.f32 v8, v14;
	v10 =	vld [tilespmem:s24+$0x970]  }
0xcd: {  	v13 =	vld [tilespmem:s28+$0x6100];
	[tilespmem:s24+$0x910] =	vst v9;
	v7 =	vadd.f32 v7, v15  }
0xce: {  	v14 =	vld [tilespmem:s28+$0x6110];
	[tilespmem:s24+$0x920] =	vst v8;
	v6 =	vadd.f32 v6, v16  }
0xcf: {  	v15 =	vld [tilespmem:s28+$0x6120];
	[tilespmem:s24+$0x930] =	vst v7;
	v5 =	vadd.f32 v5, v12  }
0xd0: {  	v12 =	vld [tilespmem:s28+$0x6130];
	[tilespmem:s24+$0x940] =	vst v6;
	v4 =	vadd.f32 v4, v11  }
0xd1: {  	v16 =	vld [tilespmem:s28+$0x6140];
	[tilespmem:s24+$0x950] =	vst v5;
	v3 =	vadd.f32 v3, v10  }
0xd2: {  	v17 =	vld [tilespmem:s28+$0x6150];
	[tilespmem:s24+$0x960] =	vst v4  }
0xd3: {  	v18 =	vld [tilespmem:s28+$0x6160];
	[tilespmem:s24+$0x970] =	vst v3;
	s24 =	smov.u32 s28  }
0xd4: {  	v19 =	vld [tilespmem:s24+$0x6170]  }
0xd5: {  	v20 =	vld [tilespmem:s24+$0x6500]  }
0xd6: {  	v21 =	vld [tilespmem:s24+$0x6510]  }
0xd7: {  	v22 =	vld [tilespmem:s24+$0x6520]  }
0xd8: {  	v23 =	vld [tilespmem:s24+$0x6530]  }
0xd9: {  	v24 =	vld [tilespmem:s24+$0x6540]  }
0xda: {  	v25 =	vld [tilespmem:s24+$0x6550]  }
0xdb: {  	v26 =	vld [tilespmem:s24+$0x6560]  }
0xdc: {  	v11 =	vld [tilespmem:s24+$0x6570]  }
0xdd: {  	v10 =	vld [tilespmem:s24+$0x6900]  }
0xde: {  	v9 =	vld [tilespmem:s24+$0x6910]  }
0xdf: {  	v8 =	vld [tilespmem:s24+$0x6920]  }
0xe0: {  	v7 =	vld [tilespmem:s24+$0x6930]  }
0xe1: {  	v6 =	vld [tilespmem:s24+$0x6940]  }
0xe2: {  	v5 =	vld [tilespmem:s24+$0x6950]  }
0xe3: {  	v4 =	vld [tilespmem:s24+$0x6960]  }
0xe4: {  	v3 =	vld [tilespmem:s24+$0x6970]  }
0xe5: {  	v27 =	vld [tilespmem:s24+$0x100]  }
0xe6: {  	v28 =	vld [tilespmem:s24+$0x110]  }
0xe7: {  	v29 =	vld [tilespmem:s24+$0x120]  }
0xe8: {  	v30 =	vld [tilespmem:s24+$0x130]  }
0xe9: {  	v31 =	vld [tilespmem:s24+$0x140]  }
0xea: {  	v13 =	vadd.f32 v13, v27;
	v27 =	vld [tilespmem:s24+$0x150]  }
0xeb: {  	v14 =	vadd.f32 v14, v28;
	v28 =	vld [tilespmem:s24+$0x160]  }
0xec: {  	[tilespmem:s24+$0x100] =	vst v13;
	v13 =	vadd.f32 v15, v29;
	v15 =	vld [tilespmem:s24+$0x170]  }
0xed: {  	[tilespmem:s24+$0x110] =	vst v14;
	v12 =	vadd.f32 v12, v30;
	v14 =	vld [tilespmem:s24+$0x500]  }
0xee: {  	[tilespmem:s24+$0x120] =	vst v13;
	v13 =	vadd.f32 v16, v31;
	v16 =	vld [tilespmem:s24+$0x510]  }
0xef: {  	[tilespmem:s24+$0x130] =	vst v12;
	v12 =	vadd.f32 v17, v27;
	v17 =	vld [tilespmem:s24+$0x520]  }
0xf0: {  	[tilespmem:s24+$0x140] =	vst v13;
	v13 =	vadd.f32 v18, v28;
	v18 =	vld [tilespmem:s24+$0x530]  }
0xf1: {  	[tilespmem:s24+$0x150] =	vst v12;
	v12 =	vadd.f32 v19, v15;
	v15 =	vld [tilespmem:s24+$0x540]  }
0xf2: {  	[tilespmem:s24+$0x160] =	vst v13;
	v13 =	vadd.f32 v20, v14;
	v14 =	vld [tilespmem:s24+$0x550]  }
0xf3: {  	[tilespmem:s24+$0x170] =	vst v12;
	v12 =	vadd.f32 v21, v16;
	v19 =	vld [tilespmem:s24+$0x560]  }
.Ltmp0:
0xf4: {  	[tilespmem:s24+$0x500] =	vst v13;
	v13 =	vadd.f32 v22, v17;
	v16 =	vld [tilespmem:s24+$0x570];
	(pc) =	sbr.rel @p0 .LBB2_2-.Ltmp0, $4  }
0xf5: {  	[tilespmem:s24+$0x510] =	vst v12;
	v17 =	vadd.f32 v23, v18;
	v12 =	vld [tilespmem:s24+$0x900]  }
0xf6: {  	[tilespmem:s24+$0x520] =	vst v13;
	v15 =	vadd.f32 v24, v15;
	v13 =	vld [tilespmem:s24+$0x910]  }
0xf7: {  	[tilespmem:s24+$0x530] =	vst v17;
	v18 =	vadd.f32 v25, v14;
	v14 =	vld [tilespmem:s24+$0x920]  }
0xf8: {  	s25 =	sadd.s32 $0x1, s25;
	[tilespmem:s24+$0x540] =	vst v15;
	v17 =	vadd.f32 v26, v19;
	v15 =	vld [tilespmem:s24+$0x930]  }
0xf9: {  	[tilespmem:s24+$0x550] =	vst v18;
	v60 =	vld [tilespmem:s24+$0x940];
	v11 =	vadd.f32 v11, v16  }
0xfa: {  	v61 =	vld [tilespmem:s24+$0x950];
	[tilespmem:s24+$0x560] =	vst v17;
	v10 =	vadd.f32 v10, v12  }
0xfb: {  	v62 =	vld [tilespmem:s24+$0x960];
	[tilespmem:s24+$0x570] =	vst v11;
	v9 =	vadd.f32 v9, v13  }
0xfc: {  	v63 =	vld [tilespmem:s24+$0x970];
	[tilespmem:s24+$0x900] =	vst v10;
	v8 =	vadd.f32 v8, v14  }
0xfd: {  	[tilespmem:s24+$0x910] =	vst v9;
	v7 =	vadd.f32 v7, v15  }
0xfe: {  	[tilespmem:s24+$0x920] =	vst v8;
	v6 =	vadd.f32 v6, v60  }
0xff: {  	v5 =	vadd.f32 v5, v61;
	[tilespmem:s24+$0x930] =	vst v7  }
0x100: {  	v4 =	vadd.f32 v4, v62;
	[tilespmem:s24+$0x940] =	vst v6  }
0x101: {  	s23 =	sadd.s32 $0x1, s23;
	v3 =	vadd.f32 v3, v63;
	[tilespmem:s24+$0x950] =	vst v5  }
0x102: {  	p0 =	sne.s32 s23, s8;
	[tilespmem:s24+$0x960] =	vst v4  }
.Ltmp1:
0x103: {  	[tilespmem:s24+$0x970] =	vst v3;
	(pc) =	sbr.rel @p0 .LBB2_1-.Ltmp1, $4  }
0x104: {  	[hbm4b:s7+s3] =	stream.linear.scatter [tilespmem:s11], [sflag:$0x3], $0x6000, $0x38;
	[tilespmem:$0xC100] =	vst v63  }
0x105: {  	_ =	swait.ge [sflag:s9], $0x6000  }
0x106: {  	[sflag:s9] =	ssyncset.done $0x0  }
0x107: {  	[sflag:s9] =	ssyncadd.s32 $0xFFFFA000  }
0x108: {  	_ =	sfence.sel $0x180000  }
0x109: {  	[bflag:$0x0] =	sbarrier.arrive $0xFFFF  }
0x10a: {  	_ =	strace $0x9000004A  }
0x10b: {  	s0 =	stileid.u32;
	[bflag:$0x2] =	sbarrier.arrive $0xFFFF  }
0x10c: {  	p0 =	sne.s32 s0, $0x0;
	s0 =	rddreg [dreg:$0x1]  }
0x10d: {  	s0 =	sadd.s32 @!p0 $0x100000, s0  }
0x10e: {  	[sflag:s0] =	ssyncadd.tile.s32 @!p0 $0x1;
	_ =	shalt  }
.Lfunc_end2:
_tile_overlayer_lowered:
.L_overlay_start_2:
0x10f: {  	(tag) =	ssettag $0x2  }
0x110: {  	s0 =	rddreg [dreg:$0x0];
	s2 =	stileid.u32  }
0x111: {  	s1 =	rddreg [dreg:$0x1];
	p0 =	sne.s32 s2, $0x0  }
0x112: {  	s3 =	rddreg [dreg:$0x2];
	[bflag:$0x3] =	sbarrier.arrive $0xFFFF;
	s2 =	simm.s32 @!p0 $0x1C03  }
0x113: {  	[timem:s3], [sflag:s2] =	dma.local @!p0 [hbm:s0], s1  }
0x114: {  	s0 =	simm.s32 @!p0 $0x3  }
0x115: {  	_ =	swait.ge @!p0 [sflag:s0], s1  }
0x116: {  	s1 =	ssub.s32 @!p0 $0x0, s1;
	[sflag:s0] =	ssyncset.done @!p0 $0x0  }
0x117: {  	[sflag:s0] =	ssyncadd.s32 @!p0 s1  }
0x118: {  	[bflag:$0x3] =	sbarrier.arrive $0xFFFF  }
0x119: {  	_ =	shalt  }

// kernel: kernel.7.cloned.1.call-start
scs
__scs_entry_jumppad:
0x0: {  	(pc) =	sbr.rel $0x88, $3  }
0x1: {  	(tag) =	ssettag $0x0;
	lr =	simm.s32 $0x1  }
0x2: {  	[smem:$0x3F9B] =	sst lr;
	_ =	strace $0xD0000000  }
0x3: {  	_ = 	snop  }
0x4: {  	_ = 	snop  }
0x5: {  	_ = 	snop  }
0x6: {  	_ = 	snop  }
0x7: {  	_ = 	snop  }
__scs_overlays_trampoline_lowered:
0x8: {  	[smem:$0x3FAA] =	sst s0  }
0x9: {  	[smem:$0x3FAB] =	sst s1  }
0xa: {  	[smem:$0x3FAC] =	sst s2  }
0xb: {  	[smem:$0x3FAD] =	sst s3  }
0xc: {  	[smem:$0x3FAE] =	sst s4  }
0xd: {  	[smem:$0x3FAF] =	sst s5  }
0xe: {  	[smem:$0x3FB0] =	sst s6  }
0xf: {  	[smem:$0x3FB1] =	sst s7  }
0x10: {  	[smem:$0x3FB2] =	sst s8  }
0x11: {  	[smem:$0x3FB3] =	sst s9;
	s0 =	simm.s32 @!p0 $0x0  }
0x12: {  	s1 =	sld [smem:$0x3F99];
	s0 =	simm.s32 @p0 $0x1  }
0x13: {  	[smem:$0x3FB4] =	sst s0;
	s0 =	simm.s32 @!p1 $0x0  }
0x14: {  	s2 =	sld [smem:$0x3F98];
	s0 =	simm.s32 @p1 $0x1  }
0x15: {  	[smem:$0x3FB5] =	sst s0;
	s0 =	simm.s32 @!p2 $0x0  }
0x16: {  	s3 =	sld [smem:$0x3FDB];
	s0 =	simm.s32 @p2 $0x1  }
0x17: {  	s4 =	simm.s32 $0x1BF5;
	[smem:$0x3FB7] =	sst s0  }
0x18: {  	s0 =	sld [smem:$0x3F9A];
	_ =	swait.ge [sflag:s4], $0x0  }
0x19: {  	s7 =	sld [smem:$0x3F9B]  }
0x1a: {  	s8 =	sadd.s32 $0xFFFFE003, lr  }
0x1b: {  	s9 =	sadd.s32 $0xFFFFFEF7, lr;
	s5 =	simm.s32 $0xFFFFFFFF;
	p2 =	slt.u32 s8, $0xFFFFF086  }
0x1c: {  	p1 =	slt.u32 s9, $0xF7A;
	s5 =	simm.s32 @!p2 $0x0  }
0x1d: {  	s5 =	simm.s32 @p1 $0x1;
	p0 =	seq.s32 s7, s2  }
0x1e: {  	s7 =	smul.u32 @!p0 $0xF7A, s2;
	p2 =	seq.s32 @!p0 s5, $0x0  }
0x1f: {  	s9 =	smul.u32 $0xF7A, s1;
	s8 =	simm.s32 @!p0 $0x1BF5;
	p2 =	por !p2, p0  }
0x20: {  	[sflag:s8] =	ssyncset.s32 @!p0 $0xFFFFF086;
	s6 =	sadd.s32 @!p0 s3, s7;
	s7 =	simm.s32 @!p0 $0x108  }
0x21: {  	s3 =	sadd.s32 s3, s9;
	s6 =	sadd.s32 @!p0 $0x88, s6;
	s7 =	simm.s32 @p2 $0x1082  }
0x22: {  	[simem:s7], [sflag:s8] =	dma.local @!p0 [hbm:s6], $0xF7A  }
0x23: {  	s9 =	sor.u32 $0xD0000000, s2;
	s6 =	simm.s32 $0x108;
	_ =	swait.ge @!p0 [sflag:s8], $0x0  }
0x24: {  	s3 =	sadd.s32 $0x88, s3;
	s6 =	simm.s32 @!p1 $0x1082;
	[sflag:s4] =	ssyncset.s32 $0xFFFFF086  }
0x25: {  	[simem:s6], [sflag:s4] =	dma.local [hbm:s3], $0xF7A  }
0x26: {  	[smem:$0x3F9B] =	sst s1;
	(tag) =	ssettag s2;
	_ =	strace s9  }
0x27: {  	s1 =	sld [smem:$0x3FAB]  }
0x28: {  	s2 =	sld [smem:$0x3FAC]  }
0x29: {  	s4 =	sld [smem:$0x3FAE]  }
0x2a: {  	p0 =	seq.s32 s5, $0x0;
	s5 =	sld [smem:$0x3FAF]  }
0x2b: {  	s6 =	sld [smem:$0x3FB0]  }
0x2c: {  	s7 =	sld [smem:$0x3FB1]  }
0x2d: {  	s3 =	simm.s32 $0x108;
	s8 =	sld [smem:$0x3FB2]  }
0x2e: {  	s3 =	simm.s32 @!p0 $0x1082;
	s9 =	sld [smem:$0x3FB3]  }
0x2f: {  	lr =	sadd.s32 s0, s3;
	s0 =	sld [smem:$0x3FAA]  }
0x30: {  	s3 =	sld [smem:$0x3FAD]  }
0x31: {  	[smem:$0x3FB6] =	sst s10  }
0x32: {  	s10 =	sld [smem:$0x3FB4];
	_ =	sdelay $0x3  }
0x33: {  	p0 =	seq.s32 s10, $0x1;
	s10 =	sld [smem:$0x3FB6];
	_ =	sdelay $0x3  }
0x34: {  	[smem:$0x3FB6] =	sst s10  }
0x35: {  	s10 =	sld [smem:$0x3FB5];
	_ =	sdelay $0x3  }
0x36: {  	p1 =	seq.s32 s10, $0x1;
	s10 =	sld [smem:$0x3FB6];
	_ =	sdelay $0x3  }
0x37: {  	[smem:$0x3FB6] =	sst s10  }
0x38: {  	s10 =	sld [smem:$0x3FB7]  }
0x39: {  	_ = 	snop;
	(pc) =	sbr.ind lr, $3  }
0x3a: {  	_ = 	snop  }
0x3b: {  	_ = 	snop  }
0x3c: {  	p2 =	seq.s32 s10, $0x1;
	s10 =	sld [smem:$0x3FB6]  }
0x3d: {  	_ =	shalt  }
0x3e: {  	_ =	shalt  }
0x3f: {  	_ =	shalt  }
0x40: {  	_ =	shalt  }
0x41: {  	_ =	shalt  }
0x42: {  	_ =	shalt  }
0x43: {  	_ =	shalt  }
0x44: {  	_ =	shalt  }
0x45: {  	_ =	shalt  }
0x46: {  	_ =	shalt  }
0x47: {  	_ =	shalt  }
0x48: {  	_ =	shalt  }
0x49: {  	_ =	shalt  }
0x4a: {  	_ =	shalt  }
0x4b: {  	_ =	shalt  }
0x4c: {  	_ =	shalt  }
0x4d: {  	_ =	shalt  }
0x4e: {  	_ =	shalt  }
0x4f: {  	_ =	shalt  }
0x50: {  	_ =	shalt  }
0x51: {  	_ =	shalt  }
0x52: {  	_ =	shalt  }
0x53: {  	_ =	shalt  }
0x54: {  	_ =	shalt  }
0x55: {  	_ =	shalt  }
0x56: {  	_ =	shalt  }
0x57: {  	_ =	shalt  }
0x58: {  	_ =	shalt  }
0x59: {  	_ =	shalt  }
0x5a: {  	_ =	shalt  }
0x5b: {  	_ =	shalt  }
0x5c: {  	_ =	shalt  }
0x5d: {  	_ =	shalt  }
0x5e: {  	_ =	shalt  }
0x5f: {  	_ =	shalt  }
0x60: {  	_ =	shalt  }
0x61: {  	_ =	shalt  }
0x62: {  	_ =	shalt  }
0x63: {  	_ =	shalt  }
0x64: {  	_ =	shalt  }
0x65: {  	_ =	shalt  }
0x66: {  	_ =	shalt  }
0x67: {  	_ =	shalt  }
0x68: {  	_ =	shalt  }
0x69: {  	_ =	shalt  }
0x6a: {  	_ =	shalt  }
0x6b: {  	_ =	shalt  }
0x6c: {  	_ =	shalt  }
0x6d: {  	_ =	shalt  }
0x6e: {  	_ =	shalt  }
0x6f: {  	_ =	shalt  }
0x70: {  	_ =	shalt  }
0x71: {  	_ =	shalt  }
0x72: {  	_ =	shalt  }
0x73: {  	_ =	shalt  }
0x74: {  	_ =	shalt  }
0x75: {  	_ =	shalt  }
0x76: {  	_ =	shalt  }
0x77: {  	_ =	shalt  }
0x78: {  	_ =	shalt  }
0x79: {  	_ =	shalt  }
0x7a: {  	_ =	shalt  }
0x7b: {  	_ =	shalt  }
0x7c: {  	_ =	shalt  }
0x7d: {  	_ =	shalt  }
0x7e: {  	_ =	shalt  }
0x7f: {  	_ =	shalt  }
0x80: {  	_ =	shalt  }
0x81: {  	_ =	shalt  }
0x82: {  	_ =	shalt  }
0x83: {  	_ =	shalt  }
0x84: {  	_ =	shalt  }
0x85: {  	_ =	shalt  }
0x86: {  	_ =	shalt  }
0x87: {  	_ =	shalt  }
.Lfunc_end0:
.L_simem_size_0:
called_computation_lowered:
.L_overlay_start_0:
0x88: {  	s2 =	sld [smem:$0x3FD9]  }
0x89: {  	s3 =	sld [smem:$0x3FFE];
	_ =	sdelay $0x1  }
0x8a: {  	s1 =	srdreg.scid  }
0x8b: {  	s0 =	sand.u32 $0x1, s1  }
0x8c: {  	s17 =	sshll.u32 s0, $0xA;
	s2 =	sadd.s32 s3, s2  }
0x8d: {  	s2 =	sadd.s32 s2, s17  }
0x8e: {  	[smem:$0x3FC2] =	sst s2  }
0x8f: {  	_ = 	snop  }
0x90: {  	s2 =	sld [smem:$0x3FD0];
	(tm) =	ssettm $0x1  }
0x91: {  	s18 =	sld [smem:$0x3FFB];
	_ =	sdelay $0x3  }
0x92: {  	_ =	strace s18  }
0x93: {  	s3 =	sld [smem:$0x3FFC];
	_ =	sdelay $0x3  }
0x94: {  	_ =	strace s3  }
0x95: {  	s3 =	sld [smem:$0x3FFD];
	_ =	sdelay $0x3  }
0x96: {  	_ =	strace s3  }
0x97: {  	_ =	strace $0x8FFFFFFF  }
0x98: {  	s19 =	sld [smem:$0x3FDB];
	_ =	sdelay $0x1  }
0x99: {  	s4 =	simm.s32 $_scs_section_size  }
0x9a: {  	s5 =	simm.s32 $_size__tile_overlayer_lowered;
	s6 =	simm.s32 $_tile_overlayer_lowered  }
0x9b: {  	s22 =	simm.s32 $0x1BFF;
	s21 =	sshll.u32 s6, $0x1;
	s3 =	sadd.s32 s4, s19  }
0x9c: {  	s7 =	simm.s32 $0x0;
	s20 =	sshll.u32 s5, $0x1;
	s5 =	sadd.s32 s21, s3  }
0x9d: {  	[timem:s7], [sflag:s22] =	dma.local [hbm:s5], s20  }
0x9e: {  	_ =	swait.ge [sflag:s22], s20  }
0x9f: {  	s4 =	ssub.s32 $0x0, s20;
	[sflag:s22] =	ssyncset.done $0x0  }
0xa0: {  	[sflag:s22] =	ssyncadd.s32 s4;
	_ =	sdelay $0x1  }
0xa1: {  	s23 =	simm.s32 $0x1B8B  }
0xa2: {  	_ =	swait.ge [sflag:s23], $0x1  }
0xa3: {  	[sflag:s23] =	ssyncset.done $0x0  }
0xa4: {  	s25 =	simm.s32 $0x1B8E;
	s24 =	sld [smem:$0x3FFE];
	[sflag:s23] =	ssyncadd.s32 $0xFFFFFFFF  }
0xa5: {  	s26 =	simm.s32 $execute0_lowered;
	[smem:$0x3FD2] =	sst s25  }
0xa6: {  	s5 =	sshll.u32 s26, $0x1;
	_ =	strace $0x80000046;
	[dreg:$0x1] =	wrdreg $0xFFFFFFFF  }
0xa7: {  	s28 =	simm.s32 $_size_execute0_lowered;
	s3 =	sadd.s32 s3, s5;
	[dreg:$0x0] =	wrdreg $0x0  }
0xa8: {  	s5 =	sshll.u32 s28, $0x1;
	[dreg:$0x2] =	wrdreg s3  }
0xa9: {  	[dreg:$0x3] =	wrdreg s5  }
0xaa: {  	[dreg:$0x4] =	wrdreg $0xC0  }
0xab: {  	_ =	task [dreg:s7], $0x5FFFF  }
0xac: {  	[dreg:$0x1] =	wrdreg $0xFFFFFFFF  }
0xad: {  	[dreg:$0x0] =	wrdreg $0x60  }
0xae: {  	[dreg:$0x2] =	wrdreg s2  }
0xaf: {  	[dreg:$0x3] =	wrdreg s24  }
0xb0: {  	[dreg:$0x4] =	wrdreg $0x9  }
0xb1: {  	_ =	task.clear_ibuf [dreg:s7], $0x5FFFF;
	_ =	strace $0x90000046  }
0xb2: {  	s29 =	simm.s32 $0x9;
	_ =	strace $0x80000048  }
0xb3: {  	_ =	swait.ge [sflag:s29], $0x1  }
0xb4: {  	[sflag:s29] =	ssyncadd.s32 $0xFFFFFFFF  }
0xb5: {  	_ =	strace $0x90000048  }
0xb6: {  	_ =	sfence  }
0xb7: {  	s30 =	sld [smem:$0x0];
	_ =	sdelay $0x2  }
0xb8: {  	s31 =	sshll.u32 s1, $0xD;
	s1 =	sshrl.u32 s1, $0x2  }
0xb9: {  	s3 =	sand.u32 $0x4000, s31;
	s1 =	sadd.s32 s1, s30  }
0xba: {  	s0 =	sor.u32 s3, s0;
	s1 =	sshll.u32 s1, $0x11  }
0xbb: {  	s0 =	sor.u32 s1, s0  }
0xbc: {  	s0 =	sadd.s32 $0x8F2B, s0  }
0xbd: {  	[sflag:s0] =	ssyncadd.remote.s32 $0x1  }
0xbe: {  	_ =	sfence.sel $0xFFFF  }
0xbf: {  	[dreg:$0x0] =	wrdreg $0xFFFFFFFF;
	(pc) =	sbr.abs _section_cstart, $3  }
0xc0: {  	[dreg:$0x1] =	wrdreg $0xFFFFFFFF  }
0xc1: {  	_ =	task.clear_ibuf [dreg:s7], $0x2FFFF;
	_ =	strace $0x9FFFFFFF  }
0xc2: {  	(tm) =	ssettm $0x7FFFFFFF  }
0xc3: {  	_ =	shalt  }
tec
execute0_lowered:
.L_overlay_start_1:
0x0: {  	(tag) =	ssettag $0x1  }
0x1: {  	s4 =	rddreg [dreg:$0x0]  }
0x2: {  	s2 =	rddreg [dreg:$0x1];
	s3 =	srdreg.scid  }
0x3: {  	s0 =	rddreg [dreg:$0x2];
	s1 =	stileid.u32;
	s6 =	sand.u32 $0x1, s3  }
0x4: {  	s3 =	simm.s32 $0x0;
	s5 =	sshll.u32 s1, $0x5;
	s7 =	sshll.u32 s6, $0x4  }
0x5: {  	[smem:$0x7FF] =	sst s3;
	s9 =	ssub.s32 $0x2, s6;
	s7 =	sor.u32 s7, s5  }
0x6: {  	_ =	strace $0x80000047;
	s5 =	sadd.s32 s4, s7;
	s4 =	simm.s32 $0x2  }
0x7: {  	[tilespmem:s3], [sflag:$0x2] =	stream.linear.gather [hbm4b:s5+s3], $0x80, $0x38;
	[tilespmem:$0xC080] =	vst v63  }
0x8: {  	s6 =	simm.s32 $0x80;
	s10 =	sshrl.u32 s9, $0x1;
	_ =	swait.ge [sflag:s4], $0x80  }
0x9: {  	s8 =	smul.u32 $0x180, s7;
	s9 =	ssub.s32 s9, s10;
	[sflag:s4] =	ssyncset.done $0x0  }
0xa: {  	s7 =	simm.s32 $0x1;
	s9 =	smax.u32 s9, $0x1;
	[sflag:s4] =	ssyncadd.s32 $0xFFFFFF80  }
0xb: {  	[tilespmem:s6], [sflag:$0x1] =	stream.linear.gather [hbm4b:s2+s3], $0xC000, $0x38;
	[tilespmem:$0xC080] =	vst v63  }
0xc: {  	p0 =	sne.s32 s9, $0x1;
	_ =	swait.ge [sflag:s7], $0xC000  }
.Ltmp0:
0xd: {  	s8 =	sadd.s32 s8, s2;
	[sflag:s7] =	ssyncset.done $0x0;
	(pc) =	sbr.rel @!p0 .LBB2_2-.Ltmp0, $4  }
0xe: {  	s8 =	sadd.s32 $0x18000, s8;
	[sflag:s7] =	ssyncadd.s32 $0xFFFF4000  }
0xf: {  	[hbm4b:s8+s3] =	stream.linear.scatter [tilespmem:s6], [sflag:$0x2], $0xC000, $0x38;
	[tilespmem:$0xC080] =	vst v63  }
0x10: {  	_ =	swait.ge [sflag:s4], $0xC000  }
0x11: {  	s9 =	sadd.s32 $0xFFFFFFFF, s9;
	[sflag:s4] =	ssyncset.done $0x0  }
.LBB2_1:
0x12: {  	p0 =	sne.s32 s9, $0x1;
	s9 =	sadd.s32 $0xFFFFFFFF, s9;
	[sflag:s4] =	ssyncadd.s32 $0xFFFF4000  }
0x13: {  	[tilespmem:s3], [sflag:$0x2] =	stream.linear.gather [hbm4b:s5+s3], $0x80, $0x38;
	[tilespmem:$0xC080] =	vst v63  }
0x14: {  	_ =	swait.ge [sflag:s4], $0x80  }
0x15: {  	[sflag:s4] =	ssyncset.done $0x0  }
0x16: {  	[sflag:s4] =	ssyncadd.s32 $0xFFFFFF80  }
0x17: {  	[tilespmem:s6], [sflag:$0x1] =	stream.linear.gather [hbm4b:s2+s3], $0xC000, $0x38;
	[tilespmem:$0xC080] =	vst v63  }
0x18: {  	_ =	swait.ge [sflag:s7], $0xC000  }
.Ltmp1:
0x19: {  	[sflag:s7] =	ssyncset.done $0x0;
	(pc) =	sbr.rel @p0 .LBB2_1-.Ltmp1, $4  }
0x1a: {  	[sflag:s7] =	ssyncadd.s32 $0xFFFF4000  }
0x1b: {  	[hbm4b:s8+s3] =	stream.linear.scatter [tilespmem:s6], [sflag:$0x2], $0xC000, $0x38;
	[tilespmem:$0xC080] =	vst v63  }
0x1c: {  	_ =	swait.ge [sflag:s4], $0xC000  }
0x1d: {  	[sflag:s4] =	ssyncset.done $0x0  }
.LBB2_2:
0x1e: {  	[sflag:s4] =	ssyncadd.s32 $0xFFFF4000  }
0x1f: {  	_ =	sfence.sel $0x180000  }
0x20: {  	[bflag:$0x0] =	sbarrier.arrive $0xFFFF  }
0x21: {  	p0 =	sne.s32 s1, $0x0;
	_ =	strace $0x90000047  }
0x22: {  	s0 =	sadd.s32 @!p0 $0x100000, s0;
	[bflag:$0x2] =	sbarrier.arrive $0xFFFF  }
0x23: {  	[sflag:s0] =	ssyncadd.tile.s32 @!p0 $0x1;
	_ =	shalt  }
.Lfunc_end2:
_tile_overlayer_lowered:
.L_overlay_start_2:
0x24: {  	(tag) =	ssettag $0x2  }
0x25: {  	s0 =	rddreg [dreg:$0x0];
	s2 =	stileid.u32  }
0x26: {  	s1 =	rddreg [dreg:$0x1];
	p0 =	sne.s32 s2, $0x0  }
0x27: {  	s3 =	rddreg [dreg:$0x2];
	[bflag:$0x3] =	sbarrier.arrive $0xFFFF;
	s2 =	simm.s32 @!p0 $0x1C02  }
0x28: {  	[timem:s3], [sflag:s2] =	dma.local @!p0 [hbm:s0], s1  }
0x29: {  	s0 =	simm.s32 @!p0 $0x2  }
0x2a: {  	_ =	swait.ge @!p0 [sflag:s0], s1  }
0x2b: {  	s1 =	ssub.s32 @!p0 $0x0, s1;
	[sflag:s0] =	ssyncset.done @!p0 $0x0  }
0x2c: {  	[sflag:s0] =	ssyncadd.s32 @!p0 s1  }
0x2d: {  	[bflag:$0x3] =	sbarrier.arrive $0xFFFF  }
0x2e: {  	_ =	shalt  }

</sc_bundles>
